<compile_context>
chip_gen: v7x
topology: tpu7x:2x2x1
jax: 0.10.2.dev20260603
libtpu: 0.0.44.dev20260713+nightly
codegen_flags: <defaults>
</compile_context>

<pallas_src>
import functools

import jax
import jax.numpy as jnp
from jax import lax
from jax.experimental import pallas as pl
from jax.experimental.pallas import tpu as pltpu
from jax.experimental.pallas import tpu_sc as plsc

N_USERS = 100000
D = 64
H = 32
B = 8192
DEG = 64

NC = 2
NS = 16
NW = NC * NS
NSLOT = 4
NCHUNK = 2
CU = B // NCHUNK


def _sc_gather_body(upw, uidx_hbm, n_hbm, h_hbm, pi_hbm, hg_out, pig_out,
                    uidx_v, friends_v, pibuf, hbuf, psem, gsem, wsem):
    c = lax.axis_index("c")
    s = lax.axis_index("s")
    wid = s * NC + c
    ubase = wid * upw

    pltpu.sync_copy(uidx_hbm.at[pl.ds(ubase, upw)], uidx_v)

    idw = min(upw, 128)
    for j in range(upw // idw):
        idx = uidx_v.at[pl.ds(j * idw, idw)]
        pltpu.async_copy(n_hbm.at[idx], friends_v.at[pl.ds(j * idw, idw)], psem)
        pltpu.async_copy(pi_hbm.at[idx], pibuf.at[pl.ds(j * idw, idw)], psem)
    for j in range(upw // idw):
        pltpu.make_async_copy(
            n_hbm.at[uidx_v.at[pl.ds(0, idw)]],
            friends_v.at[pl.ds(0, idw)], psem).wait()
        pltpu.make_async_copy(
            pi_hbm.at[uidx_v.at[pl.ds(0, idw)]],
            pibuf.at[pl.ds(0, idw)], psem).wait()
    pltpu.sync_copy(pibuf, pig_out.at[pl.ds(ubase, upw)])

    def fire_gather(u, slot):
        pltpu.async_copy(h_hbm.at[friends_v.at[u]], hbuf.at[slot],
                         gsem.at[slot])

    def wait_gather(slot):
        pltpu.make_async_copy(h_hbm.at[friends_v.at[0]], hbuf.at[slot],
                              gsem.at[slot]).wait()

    def fire_write(u, slot):
        pltpu.async_copy(hbuf.at[slot],
                         hg_out.at[pl.ds((ubase + u) * DEG, DEG)],
                         wsem.at[slot])

    def wait_write(slot):
        pltpu.make_async_copy(hbuf.at[slot],
                              hg_out.at[pl.ds(0, DEG)], wsem.at[slot]).wait()

    fire_gather(0, 0)
    fire_gather(1, 1)

    def loop(u, _):
        nslot = lax.rem(u + 2, NSLOT)

        @pl.when(u >= 2)
        def _():
            wait_write(nslot)

        fire_gather(u + 2, nslot)
        slot = lax.rem(u, NSLOT)
        wait_gather(slot)
        fire_write(u, slot)
        return 0

    lax.fori_loop(0, upw - 2, loop, 0)

    for u in (upw - 2, upw - 1):
        slot = u % NSLOT
        wait_gather(slot)
        fire_write(u, slot)
    for slot in range(NSLOT):
        wait_write(slot)


@jax.jit
def _sc_gather(user_idx, n_mat, h_all, pi_all):
    cu = user_idx.shape[0]
    upw = cu // NW
    mesh = plsc.VectorSubcoreMesh(core_axis_name="c", subcore_axis_name="s")
    return pl.kernel(
        functools.partial(_sc_gather_body, upw),
        out_type=(
            jax.ShapeDtypeStruct((cu * DEG, D), jnp.float32),
            jax.ShapeDtypeStruct((cu, D), jnp.float32),
        ),
        mesh=mesh,
        compiler_params=pltpu.CompilerParams(use_tc_tiling_on_sc=False),
        scratch_types=[
            pltpu.VMEM((upw,), jnp.int32),
            pltpu.VMEM((upw, DEG), jnp.int32),
            pltpu.VMEM((upw, D), jnp.float32),
            pltpu.VMEM((NSLOT, DEG, D), jnp.float32),
            pltpu.SemaphoreType.DMA,
            pltpu.SemaphoreType.DMA((NSLOT,)),
            pltpu.SemaphoreType.DMA((NSLOT,)),
        ],
    )(user_idx, n_mat, h_all, pi_all)


BBU = 256


def _tc_body(pig_ref, hg_ref, w1_ref, b1_ref, w2_ref, b2_ref, wagg_ref,
             bal_ref, bagg_ref, out_ref):
    x = hg_ref[...]
    w1 = w1_ref[...]
    w1h = w1[:, :D]
    w1p = w1[:, D:]
    xw = lax.dot_general(x, w1h, (((1,), (1,)), ((), ())),
                         preferred_element_type=jnp.float32)
    pi = pig_ref[...]
    piw = lax.dot_general(pi, w1p, (((1,), (1,)), ((), ())),
                          preferred_element_type=jnp.float32)
    hid = jnp.maximum(
        xw.reshape(BBU, DEG, H) + piw[:, None, :] + b1_ref[...][None, None, :],
        0.0)
    beta = jnp.sum(hid * w2_ref[...][0][None, None, :], axis=-1)
    beta = beta + b2_ref[0]
    beta = beta - jnp.max(beta, axis=-1, keepdims=True)
    e = jnp.exp(beta)
    beta = e / jnp.sum(e, axis=-1, keepdims=True)
    x3 = x.reshape(BBU, DEG, D)
    ws = jnp.sum(x3 * beta[:, :, None], axis=1)
    out = lax.dot_general(ws, wagg_ref[...], (((1,), (1,)), ((), ())),
                          preferred_element_type=jnp.float32)
    out_ref[...] = jnp.maximum(
        out + bal_ref[...][None, :] + bagg_ref[...][None, :], 0.0)


@jax.jit
def _tc_compute(pig, hg, w1, b1, w2, b2, wagg, bal, bagg):
    cu = pig.shape[0]
    nblk = cu // BBU
    const = lambda shape: pl.BlockSpec(shape, lambda i: (0,) * len(shape))
    return pl.pallas_call(
        _tc_body,
        grid=(nblk,),
        in_specs=[
            pl.BlockSpec((BBU, D), lambda i: (i, 0)),
            pl.BlockSpec((BBU * DEG, D), lambda i: (i, 0)),
            const((H, 2 * D)),
            const((H,)),
            const((1, H)),
            const((1,)),
            const((D, D)),
            const((D,)),
            const((D,)),
        ],
        out_specs=pl.BlockSpec((BBU, D), lambda i: (i, 0)),
        out_shape=jax.ShapeDtypeStruct((cu, D), jnp.float32),
    )(pig, hg, w1, b1, w2, b2, wagg, bal, bagg)


def kernel(user_emb_pi, h_I_all, user_idx, N, W1, b1, W2, b2, W_agg,
           b_agg_lin, b_agg):
    outs = []
    for c in range(NCHUNK):
        ui = user_idx[c * CU:(c + 1) * CU]
        hg, pig = _sc_gather(ui, N, h_I_all, user_emb_pi)
        outs.append(_tc_compute(pig, hg, W1, b1, W2, b2, W_agg,
                                b_agg_lin, b_agg))
    return jnp.concatenate(outs, axis=0)

# --- scband reference (transcript-rebuilt; emitter-appended) ---
"""Pipeline reference for scband-social-aggregation-46076409152412 (READ-ONLY COPY).

The authoritative reference and input builder live on the scoring server;
editing this copy changes nothing except your own understanding.
"""

import jax, jax.numpy as jnp
import numpy as np

N_USERS = 100000
D = 64
H = 32
B = 8192
DEG = 64


def setup_inputs(seed: int = 0) -> dict:
    key = jax.random.key(seed)
    ks = jax.random.split(key, 10)
    user_emb_pi = jax.random.normal(ks[0], (N_USERS, D), dtype=jnp.float32)
    h_I_all = jax.random.normal(ks[1], (N_USERS, D), dtype=jnp.float32)
    user_idx = jax.random.randint(ks[2], (B,), 0, N_USERS, dtype=jnp.int64 if jax.config.jax_enable_x64 else jnp.int32)
    Nmat = jax.random.randint(ks[3], (N_USERS, DEG), 0, N_USERS, dtype=jnp.int64 if jax.config.jax_enable_x64 else jnp.int32)
    # learned parameters
    W1 = jax.random.normal(ks[4], (H, 2 * D), dtype=jnp.float32) / np.sqrt(2 * D)
    b1 = jnp.zeros((H,), dtype=jnp.float32)
    W2 = jax.random.normal(ks[5], (1, H), dtype=jnp.float32) / np.sqrt(H)
    b2 = jnp.zeros((1,), dtype=jnp.float32)
    W_agg = jax.random.normal(ks[6], (D, D), dtype=jnp.float32) * 0.1  # nn.init.normal_(std=0.1)
    b_agg_lin = jax.random.normal(ks[7], (D,), dtype=jnp.float32) * 0.01  # Linear bias
    b_agg = jnp.zeros((D,), dtype=jnp.float32)  # extra nn.Parameter, init zeros
    return {
        'user_emb_pi': user_emb_pi,
        'h_I_all': h_I_all,
        'user_idx': user_idx,
        'N': Nmat,
        'W1': W1, 'b1': b1, 'W2': W2, 'b2': b2,
        'W_agg': W_agg, 'b_agg_lin': b_agg_lin, 'b_agg': b_agg,
    }


def reference(user_emb_pi, h_I_all, user_idx, N, W1, b1, W2, b2, W_agg, b_agg_lin, b_agg):
    # Vectorized translation of the per-user python loop (fixed degree, no empty
    # friend lists so the zeros branch never triggers).
    friends = jnp.take(N, user_idx, axis=0)              # [B, DEG] neighbor ids
    h_O_I = jnp.take(h_I_all, friends, axis=0)           # [B, DEG, D] gather
    pi = jnp.take(user_emb_pi, user_idx, axis=0)         # [B, D]
    pi = jnp.broadcast_to(pi[:, None, :], h_O_I.shape)   # repeat over friends
    concat_att = jnp.concatenate([h_O_I, pi], axis=-1)   # [B, DEG, 2D]
    hid = jax.nn.relu(jnp.einsum('bnd,hd->bnh', concat_att, W1) + b1)
    beta_star = (jnp.einsum('bnh,oh->bno', hid, W2) + b2)[..., 0]  # [B, DEG]
    beta_io = jax.nn.softmax(beta_star, axis=1)          # softmax over friends
    sum_weighted_h = jnp.sum(beta_io[..., None] * h_O_I, axis=1)   # [B, D]
    h_S = jax.nn.relu(sum_weighted_h @ W_agg.T + b_agg_lin + b_agg)
    return h_S

if __name__ == "__main__":
    import jax
    _d = setup_inputs()
    print(jax.jit(kernel)(*tuple(_d.values())))

</pallas_src>

<mosaic_0001>
#map = affine_map<(d0, d1) -> (0)>
#map1 = affine_map<(d0, d1) -> (0, 0)>
module attributes {stable_mosaic.version = 14 : i64} {
  func.func @_sc_gather_body(%arg0: i32, %arg1: i32, %arg2: memref<4096xi32, #tpu.memory_space<hbm>>, %arg3: memref<100000x64xi32, #tpu.memory_space<hbm>>, %arg4: memref<100000x64xf32, #tpu.memory_space<hbm>>, %arg5: memref<100000x64xf32, #tpu.memory_space<hbm>>, %arg6: memref<262144x64xf32, #tpu.memory_space<hbm>>, %arg7: memref<4096x64xf32, #tpu.memory_space<hbm>>, %arg8: memref<128xi32, #tpu.memory_space<vmem>>, %arg9: memref<128x64xi32, #tpu.memory_space<vmem>>, %arg10: memref<128x64xf32, #tpu.memory_space<vmem>>, %arg11: memref<4x64x64xf32, #tpu.memory_space<vmem>>, %arg12: memref<!tpu.dma_semaphore, #tpu.memory_space<semaphore_mem>>, %arg13: memref<4x!tpu.dma_semaphore, #tpu.memory_space<semaphore_mem>>, %arg14: memref<4x!tpu.dma_semaphore, #tpu.memory_space<semaphore_mem>>) attributes {dimension_semantics = [#tpu.dimension_semantics<core_parallel>, #tpu.dimension_semantics<subcore_parallel>], iteration_bounds = array<i64: 2, 16>, scalar_prefetch = 0 : i64, scratch_operands = 7 : i64, tpu.core_type = #tpu.core_type<sc_vector_subcore>, window_params = [{transform_indices = #map}, {transform_indices = #map1}, {transform_indices = #map1}, {transform_indices = #map1}, {transform_indices = #map1}, {transform_indices = #map1}]} {
    %mul3A = arith.constant 2 : i32
    %mul3A_0 = arith.muli %arg1, %mul3A : i32
    %add3A = arith.addi %mul3A_0, %arg0 : i32
    %mul3A_1 = arith.constant 128 : i32
    %mul3A_2 = arith.muli %add3A, %mul3A_1 : i32
    "tpu.region"() ({
      %run_scoped3A = tpu.sem_alloc : memref<!tpu.dma_semaphore, #tpu.memory_space<semaphore_mem>>
      %dma_start3A_211 = tpu.memref_slice %arg2[%mul3A_2] : memref<4096xi32, #tpu.memory_space<hbm>> -> memref<128xi32, #tpu.memory_space<hbm>>
      %dma_start3A_212 = tpu.memref_slice %arg2[%mul3A_2] : memref<4096xi32, #tpu.memory_space<hbm>> -> memref<128xi32, #tpu.memory_space<hbm>>
      tpu.enqueue_dma source(%dma_start3A_212 : memref<128xi32, #tpu.memory_space<hbm>>) target(%arg8 : memref<128xi32, #tpu.memory_space<vmem>>) target_semaphore(%run_scoped3A : memref<!tpu.dma_semaphore, #tpu.memory_space<semaphore_mem>>)
      %dma_wait3A_213 = tpu.memref_slice %arg2[%mul3A_2] : memref<4096xi32, #tpu.memory_space<hbm>> -> memref<128xi32, #tpu.memory_space<hbm>>
      %dma_wait3A_214 = tpu.memref_slice %arg2[%mul3A_2] : memref<4096xi32, #tpu.memory_space<hbm>> -> memref<128xi32, #tpu.memory_space<hbm>>
      tpu.wait_dma2 semaphore(%run_scoped3A : memref<!tpu.dma_semaphore, #tpu.memory_space<semaphore_mem>>) src(%dma_wait3A_214 : memref<128xi32, #tpu.memory_space<hbm>>) dst(%arg8 : memref<128xi32, #tpu.memory_space<vmem>>)
      tpu.yield
    }) : () -> ()
    %dma_start3A = arith.constant 0 : i32
    %dma_start3A_3 = arith.constant 0 : i32
    %dma_start3A_4 = tpu.memref_slice %arg9[%dma_start3A, %dma_start3A_3] : memref<128x64xi32, #tpu.memory_space<vmem>> -> memref<128x64xi32, #tpu.memory_space<vmem>>
    %dma_start3A_5 = arith.constant 0 : i32
    %dma_start3A_6 = tpu.memref_slice %arg8[%dma_start3A_5] : memref<128xi32, #tpu.memory_space<vmem>> -> memref<128xi32, #tpu.memory_space<vmem>>
    %dma_start3A_7 = arith.constant 0 : i32
    %dma_start3A_8 = arith.constant 0 : i32
    %dma_start3A_9 = tpu.memref_slice %arg3[%dma_start3A_7, %dma_start3A_8] : memref<100000x64xi32, #tpu.memory_space<hbm>> -> memref<100000x64xi32, #tpu.memory_space<hbm>>
    tpu.enqueue_indirect_dma source(%dma_start3A_9 : memref<100000x64xi32, #tpu.memory_space<hbm>>) target(%dma_start3A_4 : memref<128x64xi32, #tpu.memory_space<vmem>>) offsets(%dma_start3A_6 : memref<128xi32, #tpu.memory_space<vmem>>) semaphore(%arg12 : memref<!tpu.dma_semaphore, #tpu.memory_space<semaphore_mem>>)
    %dma_start3A_10 = arith.constant 0 : i32
    %dma_start3A_11 = arith.constant 0 : i32
    %dma_start3A_12 = tpu.memref_slice %arg10[%dma_start3A_10, %dma_start3A_11] : memref<128x64xf32, #tpu.memory_space<vmem>> -> memref<128x64xf32, #tpu.memory_space<vmem>>
    %dma_start3A_13 = arith.constant 0 : i32
    %dma_start3A_14 = tpu.memref_slice %arg8[%dma_start3A_13] : memref<128xi32, #tpu.memory_space<vmem>> -> memref<128xi32, #tpu.memory_space<vmem>>
    %dma_start3A_15 = arith.constant 0 : i32
    %dma_start3A_16 = arith.constant 0 : i32
    %dma_start3A_17 = tpu.memref_slice %arg5[%dma_start3A_15, %dma_start3A_16] : memref<100000x64xf32, #tpu.memory_space<hbm>> -> memref<100000x64xf32, #tpu.memory_space<hbm>>
    tpu.enqueue_indirect_dma source(%dma_start3A_17 : memref<100000x64xf32, #tpu.memory_space<hbm>>) target(%dma_start3A_12 : memref<128x64xf32, #tpu.memory_space<vmem>>) offsets(%dma_start3A_14 : memref<128xi32, #tpu.memory_space<vmem>>) semaphore(%arg12 : memref<!tpu.dma_semaphore, #tpu.memory_space<semaphore_mem>>)
    %dma_wait3A = arith.constant 0 : i32
    %dma_wait3A_18 = arith.constant 0 : i32
    %dma_wait3A_19 = tpu.memref_slice %arg9[%dma_wait3A, %dma_wait3A_18] : memref<128x64xi32, #tpu.memory_space<vmem>> -> memref<128x64xi32, #tpu.memory_space<vmem>>
    %dma_wait3A_20 = arith.constant 0 : i32
    %dma_wait3A_21 = tpu.memref_slice %arg8[%dma_wait3A_20] : memref<128xi32, #tpu.memory_space<vmem>> -> memref<128xi32, #tpu.memory_space<vmem>>
    %dma_wait3A_22 = arith.constant 0 : i32
    %dma_wait3A_23 = arith.constant 0 : i32
    %dma_wait3A_24 = tpu.memref_slice %arg3[%dma_wait3A_22, %dma_wait3A_23] : memref<100000x64xi32, #tpu.memory_space<hbm>> -> memref<100000x64xi32, #tpu.memory_space<hbm>>
    tpu.wait_indirect_dma semaphore(%arg12 : memref<!tpu.dma_semaphore, #tpu.memory_space<semaphore_mem>>) src(%dma_wait3A_24 : memref<100000x64xi32, #tpu.memory_space<hbm>>) dst(%dma_wait3A_19 : memref<128x64xi32, #tpu.memory_space<vmem>>)
    %dma_wait3A_25 = arith.constant 0 : i32
    %dma_wait3A_26 = arith.constant 0 : i32
    %dma_wait3A_27 = tpu.memref_slice %arg10[%dma_wait3A_25, %dma_wait3A_26] : memref<128x64xf32, #tpu.memory_space<vmem>> -> memref<128x64xf32, #tpu.memory_space<vmem>>
    %dma_wait3A_28 = arith.constant 0 : i32
    %dma_wait3A_29 = tpu.memref_slice %arg8[%dma_wait3A_28] : memref<128xi32, #tpu.memory_space<vmem>> -> memref<128xi32, #tpu.memory_space<vmem>>
    %dma_wait3A_30 = arith.constant 0 : i32
    %dma_wait3A_31 = arith.constant 0 : i32
    %dma_wait3A_32 = tpu.memref_slice %arg5[%dma_wait3A_30, %dma_wait3A_31] : memref<100000x64xf32, #tpu.memory_space<hbm>> -> memref<100000x64xf32, #tpu.memory_space<hbm>>
    tpu.wait_indirect_dma semaphore(%arg12 : memref<!tpu.dma_semaphore, #tpu.memory_space<semaphore_mem>>) src(%dma_wait3A_32 : memref<100000x64xf32, #tpu.memory_space<hbm>>) dst(%dma_wait3A_27 : memref<128x64xf32, #tpu.memory_space<vmem>>)
    "tpu.region"() ({
      %run_scoped3A = tpu.sem_alloc : memref<!tpu.dma_semaphore, #tpu.memory_space<semaphore_mem>>
      %dma_start3A_211 = arith.constant 0 : i32
      %dma_start3A_212 = tpu.memref_slice %arg7[%mul3A_2, %dma_start3A_211] : memref<4096x64xf32, #tpu.memory_space<hbm>> -> memref<128x64xf32, #tpu.memory_space<hbm>>
      %dma_start3A_213 = arith.constant 0 : i32
      %dma_start3A_214 = tpu.memref_slice %arg7[%mul3A_2, %dma_start3A_213] : memref<4096x64xf32, #tpu.memory_space<hbm>> -> memref<128x64xf32, #tpu.memory_space<hbm>>
      tpu.enqueue_dma source(%arg10 : memref<128x64xf32, #tpu.memory_space<vmem>>) target(%dma_start3A_214 : memref<128x64xf32, #tpu.memory_space<hbm>>) target_semaphore(%run_scoped3A : memref<!tpu.dma_semaphore, #tpu.memory_space<semaphore_mem>>)
      %dma_wait3A_215 = arith.constant 0 : i32
      %dma_wait3A_216 = tpu.memref_slice %arg7[%mul3A_2, %dma_wait3A_215] : memref<4096x64xf32, #tpu.memory_space<hbm>> -> memref<128x64xf32, #tpu.memory_space<hbm>>
      %dma_wait3A_217 = arith.constant 0 : i32
      %dma_wait3A_218 = tpu.memref_slice %arg7[%mul3A_2, %dma_wait3A_217] : memref<4096x64xf32, #tpu.memory_space<hbm>> -> memref<128x64xf32, #tpu.memory_space<hbm>>
      tpu.wait_dma2 semaphore(%run_scoped3A : memref<!tpu.dma_semaphore, #tpu.memory_space<semaphore_mem>>) src(%arg10 : memref<128x64xf32, #tpu.memory_space<vmem>>) dst(%dma_wait3A_218 : memref<128x64xf32, #tpu.memory_space<hbm>>)
      tpu.yield
    }) : () -> ()
    %dma_start3A_33 = arith.constant 0 : i32
    %dma_start3A_34 = arith.constant 0 : i32
    %dma_start3A_35 = arith.constant 0 : i32
    %dma_start3A_36 = arith.constant 0 : i32
    %dma_start3A_37 = arith.constant 0 : i32
    %dma_start3A_38 = tpu.memref_slice %arg11[%dma_start3A_34, %dma_start3A_36, %dma_start3A_37] : memref<4x64x64xf32, #tpu.memory_space<vmem>> -> memref<1x64x64xf32, #tpu.memory_space<vmem>>
    %dma_start3A_39 = tpu.memref_squeeze %dma_start3A_38 : memref<1x64x64xf32, #tpu.memory_space<vmem>> -> memref<64x64xf32, #tpu.memory_space<vmem>>
    %dma_start3A_40 = arith.constant 0 : i32
    %dma_start3A_41 = tpu.memref_slice %arg9[%dma_start3A_33, %dma_start3A_40] : memref<128x64xi32, #tpu.memory_space<vmem>> -> memref<1x64xi32, #tpu.memory_space<vmem>>
    %dma_start3A_42 = tpu.memref_squeeze %dma_start3A_41 : memref<1x64xi32, #tpu.memory_space<vmem>> -> memref<64xi32, #tpu.memory_space<vmem>>
    %dma_start3A_43 = arith.constant 0 : i32
    %dma_start3A_44 = arith.constant 0 : i32
    %dma_start3A_45 = tpu.memref_slice %arg4[%dma_start3A_43, %dma_start3A_44] : memref<100000x64xf32, #tpu.memory_space<hbm>> -> memref<100000x64xf32, #tpu.memory_space<hbm>>
    %dma_start3A_46 = tpu.memref_slice %arg13[%dma_start3A_35] : memref<4x!tpu.dma_semaphore, #tpu.memory_space<semaphore_mem>> -> memref<1x!tpu.dma_semaphore, #tpu.memory_space<semaphore_mem>>
    %dma_start3A_47 = tpu.memref_squeeze %dma_start3A_46 : memref<1x!tpu.dma_semaphore, #tpu.memory_space<semaphore_mem>> -> memref<!tpu.dma_semaphore, #tpu.memory_space<semaphore_mem>>
    tpu.enqueue_indirect_dma source(%dma_start3A_45 : memref<100000x64xf32, #tpu.memory_space<hbm>>) target(%dma_start3A_39 : memref<64x64xf32, #tpu.memory_space<vmem>>) offsets(%dma_start3A_42 : memref<64xi32, #tpu.memory_space<vmem>>) semaphore(%dma_start3A_47 : memref<!tpu.dma_semaphore, #tpu.memory_space<semaphore_mem>>)
    %dma_start3A_48 = arith.constant 1 : i32
    %dma_start3A_49 = arith.constant 1 : i32
    %dma_start3A_50 = arith.constant 1 : i32
    %dma_start3A_51 = arith.constant 0 : i32
    %dma_start3A_52 = arith.constant 0 : i32
    %dma_start3A_53 = tpu.memref_slice %arg11[%dma_start3A_49, %dma_start3A_51, %dma_start3A_52] : memref<4x64x64xf32, #tpu.memory_space<vmem>> -> memref<1x64x64xf32, #tpu.memory_space<vmem>>
    %dma_start3A_54 = tpu.memref_squeeze %dma_start3A_53 : memref<1x64x64xf32, #tpu.memory_space<vmem>> -> memref<64x64xf32, #tpu.memory_space<vmem>>
    %dma_start3A_55 = arith.constant 0 : i32
    %dma_start3A_56 = tpu.memref_slice %arg9[%dma_start3A_48, %dma_start3A_55] : memref<128x64xi32, #tpu.memory_space<vmem>> -> memref<1x64xi32, #tpu.memory_space<vmem>>
    %dma_start3A_57 = tpu.memref_squeeze %dma_start3A_56 : memref<1x64xi32, #tpu.memory_space<vmem>> -> memref<64xi32, #tpu.memory_space<vmem>>
    %dma_start3A_58 = arith.constant 0 : i32
    %dma_start3A_59 = arith.constant 0 : i32
    %dma_start3A_60 = tpu.memref_slice %arg4[%dma_start3A_58, %dma_start3A_59] : memref<100000x64xf32, #tpu.memory_space<hbm>> -> memref<100000x64xf32, #tpu.memory_space<hbm>>
    %dma_start3A_61 = tpu.memref_slice %arg13[%dma_start3A_50] : memref<4x!tpu.dma_semaphore, #tpu.memory_space<semaphore_mem>> -> memref<1x!tpu.dma_semaphore, #tpu.memory_space<semaphore_mem>>
    %dma_start3A_62 = tpu.memref_squeeze %dma_start3A_61 : memref<1x!tpu.dma_semaphore, #tpu.memory_space<semaphore_mem>> -> memref<!tpu.dma_semaphore, #tpu.memory_space<semaphore_mem>>
    tpu.enqueue_indirect_dma source(%dma_start3A_60 : memref<100000x64xf32, #tpu.memory_space<hbm>>) target(%dma_start3A_54 : memref<64x64xf32, #tpu.memory_space<vmem>>) offsets(%dma_start3A_57 : memref<64xi32, #tpu.memory_space<vmem>>) semaphore(%dma_start3A_62 : memref<!tpu.dma_semaphore, #tpu.memory_space<semaphore_mem>>)
    %scan3A = arith.constant 0 : i32
    %scan3A_63 = arith.constant 0 : i32
    %scan3A_64 = arith.constant 126 : i32
    %scan3A_65 = arith.addi %scan3A_63, %scan3A_64 : i32
    %scan3A_66 = arith.constant 1 : i32
    %scan3A_67 = scf.for %scan3A_211 = %scan3A_63 to %scan3A_65 step %scan3A_66 iter_args(%scan3A_212 = %scan3A) -> (i32)  : i32 {
      %add3A_213 = arith.constant 2 : i32
      %add3A_214 = arith.addi %scan3A_211, %add3A_213 : i32
      %rem3A = arith.constant 4 : i32
      %rem3A_215 = arith.remsi %add3A_214, %rem3A : i32
      %ge3A = arith.constant 2 : i32
      %ge3A_216 = arith.cmpi sge, %scan3A_211, %ge3A : i32
      %convert_element_type3A = arith.extui %ge3A_216 : i1 to i32
      %cond3A = arith.constant 0 : i32
      %cond3A_217 = arith.cmpi ne, %convert_element_type3A, %cond3A : i32
      scf.if %cond3A_217 {
        %dma_wait3A_265 = arith.constant 0 : i32
        %dma_wait3A_266 = arith.constant 0 : i32
        %dma_wait3A_267 = tpu.memref_slice %arg11[%rem3A_215, %dma_wait3A_265, %dma_wait3A_266] : memref<4x64x64xf32, #tpu.memory_space<vmem>> -> memref<1x64x64xf32, #tpu.memory_space<vmem>>
        %dma_wait3A_268 = tpu.memref_squeeze %dma_wait3A_267 : memref<1x64x64xf32, #tpu.memory_space<vmem>> -> memref<64x64xf32, #tpu.memory_space<vmem>>
        %dma_wait3A_269 = arith.constant 0 : i32
        %dma_wait3A_270 = arith.constant 0 : i32
        %dma_wait3A_271 = tpu.memref_slice %arg6[%dma_wait3A_269, %dma_wait3A_270] : memref<262144x64xf32, #tpu.memory_space<hbm>> -> memref<64x64xf32, #tpu.memory_space<hbm>>
        %dma_wait3A_272 = tpu.memref_slice %arg14[%rem3A_215] : memref<4x!tpu.dma_semaphore, #tpu.memory_space<semaphore_mem>> -> memref<1x!tpu.dma_semaphore, #tpu.memory_space<semaphore_mem>>
        %dma_wait3A_273 = tpu.memref_squeeze %dma_wait3A_272 : memref<1x!tpu.dma_semaphore, #tpu.memory_space<semaphore_mem>> -> memref<!tpu.dma_semaphore, #tpu.memory_space<semaphore_mem>>
        %dma_wait3A_274 = arith.constant 0 : i32
        %dma_wait3A_275 = arith.constant 0 : i32
        %dma_wait3A_276 = tpu.memref_slice %arg6[%dma_wait3A_274, %dma_wait3A_275] : memref<262144x64xf32, #tpu.memory_space<hbm>> -> memref<64x64xf32, #tpu.memory_space<hbm>>
        %dma_wait3A_277 = arith.constant 0 : i32
        %dma_wait3A_278 = arith.constant 0 : i32
        %dma_wait3A_279 = tpu.memref_slice %arg11[%rem3A_215, %dma_wait3A_277, %dma_wait3A_278] : memref<4x64x64xf32, #tpu.memory_space<vmem>> -> memref<1x64x64xf32, #tpu.memory_space<vmem>>
        %dma_wait3A_280 = tpu.memref_squeeze %dma_wait3A_279 : memref<1x64x64xf32, #tpu.memory_space<vmem>> -> memref<64x64xf32, #tpu.memory_space<vmem>>
        tpu.wait_dma2 semaphore(%dma_wait3A_273 : memref<!tpu.dma_semaphore, #tpu.memory_space<semaphore_mem>>) src(%dma_wait3A_280 : memref<64x64xf32, #tpu.memory_space<vmem>>) dst(%dma_wait3A_276 : memref<64x64xf32, #tpu.memory_space<hbm>>)
      } else {
      }
      %add3A_218 = arith.constant 2 : i32
      %add3A_219 = arith.addi %scan3A_211, %add3A_218 : i32
      %dma_start3A_220 = arith.constant 0 : i32
      %dma_start3A_221 = arith.constant 0 : i32
      %dma_start3A_222 = tpu.memref_slice %arg11[%rem3A_215, %dma_start3A_220, %dma_start3A_221] : memref<4x64x64xf32, #tpu.memory_space<vmem>> -> memref<1x64x64xf32, #tpu.memory_space<vmem>>
      %dma_start3A_223 = tpu.memref_squeeze %dma_start3A_222 : memref<1x64x64xf32, #tpu.memory_space<vmem>> -> memref<64x64xf32, #tpu.memory_space<vmem>>
      %dma_start3A_224 = arith.constant 0 : i32
      %dma_start3A_225 = tpu.memref_slice %arg9[%add3A_219, %dma_start3A_224] : memref<128x64xi32, #tpu.memory_space<vmem>> -> memref<1x64xi32, #tpu.memory_space<vmem>>
      %dma_start3A_226 = tpu.memref_squeeze %dma_start3A_225 : memref<1x64xi32, #tpu.memory_space<vmem>> -> memref<64xi32, #tpu.memory_space<vmem>>
      %dma_start3A_227 = arith.constant 0 : i32
      %dma_start3A_228 = arith.constant 0 : i32
      %dma_start3A_229 = tpu.memref_slice %arg4[%dma_start3A_227, %dma_start3A_228] : memref<100000x64xf32, #tpu.memory_space<hbm>> -> memref<100000x64xf32, #tpu.memory_space<hbm>>
      %dma_start3A_230 = tpu.memref_slice %arg13[%rem3A_215] : memref<4x!tpu.dma_semaphore, #tpu.memory_space<semaphore_mem>> -> memref<1x!tpu.dma_semaphore, #tpu.memory_space<semaphore_mem>>
      %dma_start3A_231 = tpu.memref_squeeze %dma_start3A_230 : memref<1x!tpu.dma_semaphore, #tpu.memory_space<semaphore_mem>> -> memref<!tpu.dma_semaphore, #tpu.memory_space<semaphore_mem>>
      tpu.enqueue_indirect_dma source(%dma_start3A_229 : memref<100000x64xf32, #tpu.memory_space<hbm>>) target(%dma_start3A_223 : memref<64x64xf32, #tpu.memory_space<vmem>>) offsets(%dma_start3A_226 : memref<64xi32, #tpu.memory_space<vmem>>) semaphore(%dma_start3A_231 : memref<!tpu.dma_semaphore, #tpu.memory_space<semaphore_mem>>)
      %rem3A_232 = arith.constant 4 : i32
      %rem3A_233 = arith.remsi %scan3A_211, %rem3A_232 : i32
      %dma_wait3A_234 = arith.constant 0 : i32
      %dma_wait3A_235 = arith.constant 0 : i32
      %dma_wait3A_236 = arith.constant 0 : i32
      %dma_wait3A_237 = tpu.memref_slice %arg11[%rem3A_233, %dma_wait3A_235, %dma_wait3A_236] : memref<4x64x64xf32, #tpu.memory_space<vmem>> -> memref<1x64x64xf32, #tpu.memory_space<vmem>>
      %dma_wait3A_238 = tpu.memref_squeeze %dma_wait3A_237 : memref<1x64x64xf32, #tpu.memory_space<vmem>> -> memref<64x64xf32, #tpu.memory_space<vmem>>
      %dma_wait3A_239 = arith.constant 0 : i32
      %dma_wait3A_240 = tpu.memref_slice %arg9[%dma_wait3A_234, %dma_wait3A_239] : memref<128x64xi32, #tpu.memory_space<vmem>> -> memref<1x64xi32, #tpu.memory_space<vmem>>
      %dma_wait3A_241 = tpu.memref_squeeze %dma_wait3A_240 : memref<1x64xi32, #tpu.memory_space<vmem>> -> memref<64xi32, #tpu.memory_space<vmem>>
      %dma_wait3A_242 = arith.constant 0 : i32
      %dma_wait3A_243 = arith.constant 0 : i32
      %dma_wait3A_244 = tpu.memref_slice %arg4[%dma_wait3A_242, %dma_wait3A_243] : memref<100000x64xf32, #tpu.memory_space<hbm>> -> memref<100000x64xf32, #tpu.memory_space<hbm>>
      %dma_wait3A_245 = tpu.memref_slice %arg13[%rem3A_233] : memref<4x!tpu.dma_semaphore, #tpu.memory_space<semaphore_mem>> -> memref<1x!tpu.dma_semaphore, #tpu.memory_space<semaphore_mem>>
      %dma_wait3A_246 = tpu.memref_squeeze %dma_wait3A_245 : memref<1x!tpu.dma_semaphore, #tpu.memory_space<semaphore_mem>> -> memref<!tpu.dma_semaphore, #tpu.memory_space<semaphore_mem>>
      tpu.wait_indirect_dma semaphore(%dma_wait3A_246 : memref<!tpu.dma_semaphore, #tpu.memory_space<semaphore_mem>>) src(%dma_wait3A_244 : memref<100000x64xf32, #tpu.memory_space<hbm>>) dst(%dma_wait3A_238 : memref<64x64xf32, #tpu.memory_space<vmem>>)
      %add3A_247 = arith.addi %mul3A_2, %scan3A_211 : i32
      %mul3A_248 = arith.constant 64 : i32
      %mul3A_249 = arith.muli %add3A_247, %mul3A_248 : i32
      %dma_start3A_250 = arith.constant 0 : i32
      %dma_start3A_251 = arith.constant 0 : i32
      %dma_start3A_252 = tpu.memref_slice %arg11[%rem3A_233, %dma_start3A_250, %dma_start3A_251] : memref<4x64x64xf32, #tpu.memory_space<vmem>> -> memref<1x64x64xf32, #tpu.memory_space<vmem>>
      %dma_start3A_253 = tpu.memref_squeeze %dma_start3A_252 : memref<1x64x64xf32, #tpu.memory_space<vmem>> -> memref<64x64xf32, #tpu.memory_space<vmem>>
      %dma_start3A_254 = arith.constant 0 : i32
      %dma_start3A_255 = tpu.memref_slice %arg6[%mul3A_249, %dma_start3A_254] : memref<262144x64xf32, #tpu.memory_space<hbm>> -> memref<64x64xf32, #tpu.memory_space<hbm>>
      %dma_start3A_256 = tpu.memref_slice %arg14[%rem3A_233] : memref<4x!tpu.dma_semaphore, #tpu.memory_space<semaphore_mem>> -> memref<1x!tpu.dma_semaphore, #tpu.memory_space<semaphore_mem>>
      %dma_start3A_257 = tpu.memref_squeeze %dma_start3A_256 : memref<1x!tpu.dma_semaphore, #tpu.memory_space<semaphore_mem>> -> memref<!tpu.dma_semaphore, #tpu.memory_space<semaphore_mem>>
      %dma_start3A_258 = arith.constant 0 : i32
      %dma_start3A_259 = tpu.memref_slice %arg6[%mul3A_249, %dma_start3A_258] : memref<262144x64xf32, #tpu.memory_space<hbm>> -> memref<64x64xf32, #tpu.memory_space<hbm>>
      %dma_start3A_260 = arith.constant 0 : i32
      %dma_start3A_261 = arith.constant 0 : i32
      %dma_start3A_262 = tpu.memref_slice %arg11[%rem3A_233, %dma_start3A_260, %dma_start3A_261] : memref<4x64x64xf32, #tpu.memory_space<vmem>> -> memref<1x64x64xf32, #tpu.memory_space<vmem>>
      %dma_start3A_263 = tpu.memref_squeeze %dma_start3A_262 : memref<1x64x64xf32, #tpu.memory_space<vmem>> -> memref<64x64xf32, #tpu.memory_space<vmem>>
      tpu.enqueue_dma source(%dma_start3A_263 : memref<64x64xf32, #tpu.memory_space<vmem>>) target(%dma_start3A_259 : memref<64x64xf32, #tpu.memory_space<hbm>>) target_semaphore(%dma_start3A_257 : memref<!tpu.dma_semaphore, #tpu.memory_space<semaphore_mem>>)
      %scan3A_264 = arith.constant 0 : i32
      scf.yield %scan3A_264 : i32
    }
    %scan3A_68 = arith.constant 126 : i32
    %dma_wait3A_69 = arith.constant 0 : i32
    %dma_wait3A_70 = arith.constant 2 : i32
    %dma_wait3A_71 = arith.constant 2 : i32
    %dma_wait3A_72 = arith.constant 0 : i32
    %dma_wait3A_73 = arith.constant 0 : i32
    %dma_wait3A_74 = tpu.memref_slice %arg11[%dma_wait3A_70, %dma_wait3A_72, %dma_wait3A_73] : memref<4x64x64xf32, #tpu.memory_space<vmem>> -> memref<1x64x64xf32, #tpu.memory_space<vmem>>
    %dma_wait3A_75 = tpu.memref_squeeze %dma_wait3A_74 : memref<1x64x64xf32, #tpu.memory_space<vmem>> -> memref<64x64xf32, #tpu.memory_space<vmem>>
    %dma_wait3A_76 = arith.constant 0 : i32
    %dma_wait3A_77 = tpu.memref_slice %arg9[%dma_wait3A_69, %dma_wait3A_76] : memref<128x64xi32, #tpu.memory_space<vmem>> -> memref<1x64xi32, #tpu.memory_space<vmem>>
    %dma_wait3A_78 = tpu.memref_squeeze %dma_wait3A_77 : memref<1x64xi32, #tpu.memory_space<vmem>> -> memref<64xi32, #tpu.memory_space<vmem>>
    %dma_wait3A_79 = arith.constant 0 : i32
    %dma_wait3A_80 = arith.constant 0 : i32
    %dma_wait3A_81 = tpu.memref_slice %arg4[%dma_wait3A_79, %dma_wait3A_80] : memref<100000x64xf32, #tpu.memory_space<hbm>> -> memref<100000x64xf32, #tpu.memory_space<hbm>>
    %dma_wait3A_82 = tpu.memref_slice %arg13[%dma_wait3A_71] : memref<4x!tpu.dma_semaphore, #tpu.memory_space<semaphore_mem>> -> memref<1x!tpu.dma_semaphore, #tpu.memory_space<semaphore_mem>>
    %dma_wait3A_83 = tpu.memref_squeeze %dma_wait3A_82 : memref<1x!tpu.dma_semaphore, #tpu.memory_space<semaphore_mem>> -> memref<!tpu.dma_semaphore, #tpu.memory_space<semaphore_mem>>
    tpu.wait_indirect_dma semaphore(%dma_wait3A_83 : memref<!tpu.dma_semaphore, #tpu.memory_space<semaphore_mem>>) src(%dma_wait3A_81 : memref<100000x64xf32, #tpu.memory_space<hbm>>) dst(%dma_wait3A_75 : memref<64x64xf32, #tpu.memory_space<vmem>>)
    %add3A_84 = arith.constant 126 : i32
    %add3A_85 = arith.addi %mul3A_2, %add3A_84 : i32
    %mul3A_86 = arith.constant 64 : i32
    %mul3A_87 = arith.muli %add3A_85, %mul3A_86 : i32
    %dma_start3A_88 = arith.constant 2 : i32
    %dma_start3A_89 = arith.constant 2 : i32
    %dma_start3A_90 = arith.constant 0 : i32
    %dma_start3A_91 = arith.constant 0 : i32
    %dma_start3A_92 = tpu.memref_slice %arg11[%dma_start3A_88, %dma_start3A_90, %dma_start3A_91] : memref<4x64x64xf32, #tpu.memory_space<vmem>> -> memref<1x64x64xf32, #tpu.memory_space<vmem>>
    %dma_start3A_93 = tpu.memref_squeeze %dma_start3A_92 : memref<1x64x64xf32, #tpu.memory_space<vmem>> -> memref<64x64xf32, #tpu.memory_space<vmem>>
    %dma_start3A_94 = arith.constant 0 : i32
    %dma_start3A_95 = tpu.memref_slice %arg6[%mul3A_87, %dma_start3A_94] : memref<262144x64xf32, #tpu.memory_space<hbm>> -> memref<64x64xf32, #tpu.memory_space<hbm>>
    %dma_start3A_96 = tpu.memref_slice %arg14[%dma_start3A_89] : memref<4x!tpu.dma_semaphore, #tpu.memory_space<semaphore_mem>> -> memref<1x!tpu.dma_semaphore, #tpu.memory_space<semaphore_mem>>
    %dma_start3A_97 = tpu.memref_squeeze %dma_start3A_96 : memref<1x!tpu.dma_semaphore, #tpu.memory_space<semaphore_mem>> -> memref<!tpu.dma_semaphore, #tpu.memory_space<semaphore_mem>>
    %dma_start3A_98 = arith.constant 0 : i32
    %dma_start3A_99 = tpu.memref_slice %arg6[%mul3A_87, %dma_start3A_98] : memref<262144x64xf32, #tpu.memory_space<hbm>> -> memref<64x64xf32, #tpu.memory_space<hbm>>
    %dma_start3A_100 = arith.constant 0 : i32
    %dma_start3A_101 = arith.constant 0 : i32
    %dma_start3A_102 = tpu.memref_slice %arg11[%dma_start3A_88, %dma_start3A_100, %dma_start3A_101] : memref<4x64x64xf32, #tpu.memory_space<vmem>> -> memref<1x64x64xf32, #tpu.memory_space<vmem>>
    %dma_start3A_103 = tpu.memref_squeeze %dma_start3A_102 : memref<1x64x64xf32, #tpu.memory_space<vmem>> -> memref<64x64xf32, #tpu.memory_space<vmem>>
    tpu.enqueue_dma source(%dma_start3A_103 : memref<64x64xf32, #tpu.memory_space<vmem>>) target(%dma_start3A_99 : memref<64x64xf32, #tpu.memory_space<hbm>>) target_semaphore(%dma_start3A_97 : memref<!tpu.dma_semaphore, #tpu.memory_space<semaphore_mem>>)
    %dma_wait3A_104 = arith.constant 0 : i32
    %dma_wait3A_105 = arith.constant 3 : i32
    %dma_wait3A_106 = arith.constant 3 : i32
    %dma_wait3A_107 = arith.constant 0 : i32
    %dma_wait3A_108 = arith.constant 0 : i32
    %dma_wait3A_109 = tpu.memref_slice %arg11[%dma_wait3A_105, %dma_wait3A_107, %dma_wait3A_108] : memref<4x64x64xf32, #tpu.memory_space<vmem>> -> memref<1x64x64xf32, #tpu.memory_space<vmem>>
    %dma_wait3A_110 = tpu.memref_squeeze %dma_wait3A_109 : memref<1x64x64xf32, #tpu.memory_space<vmem>> -> memref<64x64xf32, #tpu.memory_space<vmem>>
    %dma_wait3A_111 = arith.constant 0 : i32
    %dma_wait3A_112 = tpu.memref_slice %arg9[%dma_wait3A_104, %dma_wait3A_111] : memref<128x64xi32, #tpu.memory_space<vmem>> -> memref<1x64xi32, #tpu.memory_space<vmem>>
    %dma_wait3A_113 = tpu.memref_squeeze %dma_wait3A_112 : memref<1x64xi32, #tpu.memory_space<vmem>> -> memref<64xi32, #tpu.memory_space<vmem>>
    %dma_wait3A_114 = arith.constant 0 : i32
    %dma_wait3A_115 = arith.constant 0 : i32
    %dma_wait3A_116 = tpu.memref_slice %arg4[%dma_wait3A_114, %dma_wait3A_115] : memref<100000x64xf32, #tpu.memory_space<hbm>> -> memref<100000x64xf32, #tpu.memory_space<hbm>>
    %dma_wait3A_117 = tpu.memref_slice %arg13[%dma_wait3A_106] : memref<4x!tpu.dma_semaphore, #tpu.memory_space<semaphore_mem>> -> memref<1x!tpu.dma_semaphore, #tpu.memory_space<semaphore_mem>>
    %dma_wait3A_118 = tpu.memref_squeeze %dma_wait3A_117 : memref<1x!tpu.dma_semaphore, #tpu.memory_space<semaphore_mem>> -> memref<!tpu.dma_semaphore, #tpu.memory_space<semaphore_mem>>
    tpu.wait_indirect_dma semaphore(%dma_wait3A_118 : memref<!tpu.dma_semaphore, #tpu.memory_space<semaphore_mem>>) src(%dma_wait3A_116 : memref<100000x64xf32, #tpu.memory_space<hbm>>) dst(%dma_wait3A_110 : memref<64x64xf32, #tpu.memory_space<vmem>>)
    %add3A_119 = arith.constant 127 : i32
    %add3A_120 = arith.addi %mul3A_2, %add3A_119 : i32
    %mul3A_121 = arith.constant 64 : i32
    %mul3A_122 = arith.muli %add3A_120, %mul3A_121 : i32
    %dma_start3A_123 = arith.constant 3 : i32
    %dma_start3A_124 = arith.constant 3 : i32
    %dma_start3A_125 = arith.constant 0 : i32
    %dma_start3A_126 = arith.constant 0 : i32
    %dma_start3A_127 = tpu.memref_slice %arg11[%dma_start3A_123, %dma_start3A_125, %dma_start3A_126] : memref<4x64x64xf32, #tpu.memory_space<vmem>> -> memref<1x64x64xf32, #tpu.memory_space<vmem>>
    %dma_start3A_128 = tpu.memref_squeeze %dma_start3A_127 : memref<1x64x64xf32, #tpu.memory_space<vmem>> -> memref<64x64xf32, #tpu.memory_space<vmem>>
    %dma_start3A_129 = arith.constant 0 : i32
    %dma_start3A_130 = tpu.memref_slice %arg6[%mul3A_122, %dma_start3A_129] : memref<262144x64xf32, #tpu.memory_space<hbm>> -> memref<64x64xf32, #tpu.memory_space<hbm>>
    %dma_start3A_131 = tpu.memref_slice %arg14[%dma_start3A_124] : memref<4x!tpu.dma_semaphore, #tpu.memory_space<semaphore_mem>> -> memref<1x!tpu.dma_semaphore, #tpu.memory_space<semaphore_mem>>
    %dma_start3A_132 = tpu.memref_squeeze %dma_start3A_131 : memref<1x!tpu.dma_semaphore, #tpu.memory_space<semaphore_mem>> -> memref<!tpu.dma_semaphore, #tpu.memory_space<semaphore_mem>>
    %dma_start3A_133 = arith.constant 0 : i32
    %dma_start3A_134 = tpu.memref_slice %arg6[%mul3A_122, %dma_start3A_133] : memref<262144x64xf32, #tpu.memory_space<hbm>> -> memref<64x64xf32, #tpu.memory_space<hbm>>
    %dma_start3A_135 = arith.constant 0 : i32
    %dma_start3A_136 = arith.constant 0 : i32
    %dma_start3A_137 = tpu.memref_slice %arg11[%dma_start3A_123, %dma_start3A_135, %dma_start3A_136] : memref<4x64x64xf32, #tpu.memory_space<vmem>> -> memref<1x64x64xf32, #tpu.memory_space<vmem>>
    %dma_start3A_138 = tpu.memref_squeeze %dma_start3A_137 : memref<1x64x64xf32, #tpu.memory_space<vmem>> -> memref<64x64xf32, #tpu.memory_space<vmem>>
    tpu.enqueue_dma source(%dma_start3A_138 : memref<64x64xf32, #tpu.memory_space<vmem>>) target(%dma_start3A_134 : memref<64x64xf32, #tpu.memory_space<hbm>>) target_semaphore(%dma_start3A_132 : memref<!tpu.dma_semaphore, #tpu.memory_space<semaphore_mem>>)
    %dma_wait3A_139 = arith.constant 0 : i32
    %dma_wait3A_140 = arith.constant 0 : i32
    %dma_wait3A_141 = arith.constant 0 : i32
    %dma_wait3A_142 = arith.constant 0 : i32
    %dma_wait3A_143 = tpu.memref_slice %arg11[%dma_wait3A_139, %dma_wait3A_141, %dma_wait3A_142] : memref<4x64x64xf32, #tpu.memory_space<vmem>> -> memref<1x64x64xf32, #tpu.memory_space<vmem>>
    %dma_wait3A_144 = tpu.memref_squeeze %dma_wait3A_143 : memref<1x64x64xf32, #tpu.memory_space<vmem>> -> memref<64x64xf32, #tpu.memory_space<vmem>>
    %dma_wait3A_145 = arith.constant 0 : i32
    %dma_wait3A_146 = arith.constant 0 : i32
    %dma_wait3A_147 = tpu.memref_slice %arg6[%dma_wait3A_145, %dma_wait3A_146] : memref<262144x64xf32, #tpu.memory_space<hbm>> -> memref<64x64xf32, #tpu.memory_space<hbm>>
    %dma_wait3A_148 = tpu.memref_slice %arg14[%dma_wait3A_140] : memref<4x!tpu.dma_semaphore, #tpu.memory_space<semaphore_mem>> -> memref<1x!tpu.dma_semaphore, #tpu.memory_space<semaphore_mem>>
    %dma_wait3A_149 = tpu.memref_squeeze %dma_wait3A_148 : memref<1x!tpu.dma_semaphore, #tpu.memory_space<semaphore_mem>> -> memref<!tpu.dma_semaphore, #tpu.memory_space<semaphore_mem>>
    %dma_wait3A_150 = arith.constant 0 : i32
    %dma_wait3A_151 = arith.constant 0 : i32
    %dma_wait3A_152 = tpu.memref_slice %arg6[%dma_wait3A_150, %dma_wait3A_151] : memref<262144x64xf32, #tpu.memory_space<hbm>> -> memref<64x64xf32, #tpu.memory_space<hbm>>
    %dma_wait3A_153 = arith.constant 0 : i32
    %dma_wait3A_154 = arith.constant 0 : i32
    %dma_wait3A_155 = tpu.memref_slice %arg11[%dma_wait3A_139, %dma_wait3A_153, %dma_wait3A_154] : memref<4x64x64xf32, #tpu.memory_space<vmem>> -> memref<1x64x64xf32, #tpu.memory_space<vmem>>
    %dma_wait3A_156 = tpu.memref_squeeze %dma_wait3A_155 : memref<1x64x64xf32, #tpu.memory_space<vmem>> -> memref<64x64xf32, #tpu.memory_space<vmem>>
    tpu.wait_dma2 semaphore(%dma_wait3A_149 : memref<!tpu.dma_semaphore, #tpu.memory_space<semaphore_mem>>) src(%dma_wait3A_156 : memref<64x64xf32, #tpu.memory_space<vmem>>) dst(%dma_wait3A_152 : memref<64x64xf32, #tpu.memory_space<hbm>>)
    %dma_wait3A_157 = arith.constant 1 : i32
    %dma_wait3A_158 = arith.constant 1 : i32
    %dma_wait3A_159 = arith.constant 0 : i32
    %dma_wait3A_160 = arith.constant 0 : i32
    %dma_wait3A_161 = tpu.memref_slice %arg11[%dma_wait3A_157, %dma_wait3A_159, %dma_wait3A_160] : memref<4x64x64xf32, #tpu.memory_space<vmem>> -> memref<1x64x64xf32, #tpu.memory_space<vmem>>
    %dma_wait3A_162 = tpu.memref_squeeze %dma_wait3A_161 : memref<1x64x64xf32, #tpu.memory_space<vmem>> -> memref<64x64xf32, #tpu.memory_space<vmem>>
    %dma_wait3A_163 = arith.constant 0 : i32
    %dma_wait3A_164 = arith.constant 0 : i32
    %dma_wait3A_165 = tpu.memref_slice %arg6[%dma_wait3A_163, %dma_wait3A_164] : memref<262144x64xf32, #tpu.memory_space<hbm>> -> memref<64x64xf32, #tpu.memory_space<hbm>>
    %dma_wait3A_166 = tpu.memref_slice %arg14[%dma_wait3A_158] : memref<4x!tpu.dma_semaphore, #tpu.memory_space<semaphore_mem>> -> memref<1x!tpu.dma_semaphore, #tpu.memory_space<semaphore_mem>>
    %dma_wait3A_167 = tpu.memref_squeeze %dma_wait3A_166 : memref<1x!tpu.dma_semaphore, #tpu.memory_space<semaphore_mem>> -> memref<!tpu.dma_semaphore, #tpu.memory_space<semaphore_mem>>
    %dma_wait3A_168 = arith.constant 0 : i32
    %dma_wait3A_169 = arith.constant 0 : i32
    %dma_wait3A_170 = tpu.memref_slice %arg6[%dma_wait3A_168, %dma_wait3A_169] : memref<262144x64xf32, #tpu.memory_space<hbm>> -> memref<64x64xf32, #tpu.memory_space<hbm>>
    %dma_wait3A_171 = arith.constant 0 : i32
    %dma_wait3A_172 = arith.constant 0 : i32
    %dma_wait3A_173 = tpu.memref_slice %arg11[%dma_wait3A_157, %dma_wait3A_171, %dma_wait3A_172] : memref<4x64x64xf32, #tpu.memory_space<vmem>> -> memref<1x64x64xf32, #tpu.memory_space<vmem>>
    %dma_wait3A_174 = tpu.memref_squeeze %dma_wait3A_173 : memref<1x64x64xf32, #tpu.memory_space<vmem>> -> memref<64x64xf32, #tpu.memory_space<vmem>>
    tpu.wait_dma2 semaphore(%dma_wait3A_167 : memref<!tpu.dma_semaphore, #tpu.memory_space<semaphore_mem>>) src(%dma_wait3A_174 : memref<64x64xf32, #tpu.memory_space<vmem>>) dst(%dma_wait3A_170 : memref<64x64xf32, #tpu.memory_space<hbm>>)
    %dma_wait3A_175 = arith.constant 2 : i32
    %dma_wait3A_176 = arith.constant 2 : i32
    %dma_wait3A_177 = arith.constant 0 : i32
    %dma_wait3A_178 = arith.constant 0 : i32
    %dma_wait3A_179 = tpu.memref_slice %arg11[%dma_wait3A_175, %dma_wait3A_177, %dma_wait3A_178] : memref<4x64x64xf32, #tpu.memory_space<vmem>> -> memref<1x64x64xf32, #tpu.memory_space<vmem>>
    %dma_wait3A_180 = tpu.memref_squeeze %dma_wait3A_179 : memref<1x64x64xf32, #tpu.memory_space<vmem>> -> memref<64x64xf32, #tpu.memory_space<vmem>>
    %dma_wait3A_181 = arith.constant 0 : i32
    %dma_wait3A_182 = arith.constant 0 : i32
    %dma_wait3A_183 = tpu.memref_slice %arg6[%dma_wait3A_181, %dma_wait3A_182] : memref<262144x64xf32, #tpu.memory_space<hbm>> -> memref<64x64xf32, #tpu.memory_space<hbm>>
    %dma_wait3A_184 = tpu.memref_slice %arg14[%dma_wait3A_176] : memref<4x!tpu.dma_semaphore, #tpu.memory_space<semaphore_mem>> -> memref<1x!tpu.dma_semaphore, #tpu.memory_space<semaphore_mem>>
    %dma_wait3A_185 = tpu.memref_squeeze %dma_wait3A_184 : memref<1x!tpu.dma_semaphore, #tpu.memory_space<semaphore_mem>> -> memref<!tpu.dma_semaphore, #tpu.memory_space<semaphore_mem>>
    %dma_wait3A_186 = arith.constant 0 : i32
    %dma_wait3A_187 = arith.constant 0 : i32
    %dma_wait3A_188 = tpu.memref_slice %arg6[%dma_wait3A_186, %dma_wait3A_187] : memref<262144x64xf32, #tpu.memory_space<hbm>> -> memref<64x64xf32, #tpu.memory_space<hbm>>
    %dma_wait3A_189 = arith.constant 0 : i32
    %dma_wait3A_190 = arith.constant 0 : i32
    %dma_wait3A_191 = tpu.memref_slice %arg11[%dma_wait3A_175, %dma_wait3A_189, %dma_wait3A_190] : memref<4x64x64xf32, #tpu.memory_space<vmem>> -> memref<1x64x64xf32, #tpu.memory_space<vmem>>
    %dma_wait3A_192 = tpu.memref_squeeze %dma_wait3A_191 : memref<1x64x64xf32, #tpu.memory_space<vmem>> -> memref<64x64xf32, #tpu.memory_space<vmem>>
    tpu.wait_dma2 semaphore(%dma_wait3A_185 : memref<!tpu.dma_semaphore, #tpu.memory_space<semaphore_mem>>) src(%dma_wait3A_192 : memref<64x64xf32, #tpu.memory_space<vmem>>) dst(%dma_wait3A_188 : memref<64x64xf32, #tpu.memory_space<hbm>>)
    %dma_wait3A_193 = arith.constant 3 : i32
    %dma_wait3A_194 = arith.constant 3 : i32
    %dma_wait3A_195 = arith.constant 0 : i32
    %dma_wait3A_196 = arith.constant 0 : i32
    %dma_wait3A_197 = tpu.memref_slice %arg11[%dma_wait3A_193, %dma_wait3A_195, %dma_wait3A_196] : memref<4x64x64xf32, #tpu.memory_space<vmem>> -> memref<1x64x64xf32, #tpu.memory_space<vmem>>
    %dma_wait3A_198 = tpu.memref_squeeze %dma_wait3A_197 : memref<1x64x64xf32, #tpu.memory_space<vmem>> -> memref<64x64xf32, #tpu.memory_space<vmem>>
    %dma_wait3A_199 = arith.constant 0 : i32
    %dma_wait3A_200 = arith.constant 0 : i32
    %dma_wait3A_201 = tpu.memref_slice %arg6[%dma_wait3A_199, %dma_wait3A_200] : memref<262144x64xf32, #tpu.memory_space<hbm>> -> memref<64x64xf32, #tpu.memory_space<hbm>>
    %dma_wait3A_202 = tpu.memref_slice %arg14[%dma_wait3A_194] : memref<4x!tpu.dma_semaphore, #tpu.memory_space<semaphore_mem>> -> memref<1x!tpu.dma_semaphore, #tpu.memory_space<semaphore_mem>>
    %dma_wait3A_203 = tpu.memref_squeeze %dma_wait3A_202 : memref<1x!tpu.dma_semaphore, #tpu.memory_space<semaphore_mem>> -> memref<!tpu.dma_semaphore, #tpu.memory_space<semaphore_mem>>
    %dma_wait3A_204 = arith.constant 0 : i32
    %dma_wait3A_205 = arith.constant 0 : i32
    %dma_wait3A_206 = tpu.memref_slice %arg6[%dma_wait3A_204, %dma_wait3A_205] : memref<262144x64xf32, #tpu.memory_space<hbm>> -> memref<64x64xf32, #tpu.memory_space<hbm>>
    %dma_wait3A_207 = arith.constant 0 : i32
    %dma_wait3A_208 = arith.constant 0 : i32
    %dma_wait3A_209 = tpu.memref_slice %arg11[%dma_wait3A_193, %dma_wait3A_207, %dma_wait3A_208] : memref<4x64x64xf32, #tpu.memory_space<vmem>> -> memref<1x64x64xf32, #tpu.memory_space<vmem>>
    %dma_wait3A_210 = tpu.memref_squeeze %dma_wait3A_209 : memref<1x64x64xf32, #tpu.memory_space<vmem>> -> memref<64x64xf32, #tpu.memory_space<vmem>>
    tpu.wait_dma2 semaphore(%dma_wait3A_203 : memref<!tpu.dma_semaphore, #tpu.memory_space<semaphore_mem>>) src(%dma_wait3A_210 : memref<64x64xf32, #tpu.memory_space<vmem>>) dst(%dma_wait3A_206 : memref<64x64xf32, #tpu.memory_space<hbm>>)
    return
  }
}

</mosaic_0001>

<sc_bundles>
// kernel: _sc_gather.3.cloned.1.call-start
scs
__scs_entry_jumppad:
0x0: {  	(pc) =	sbr.rel $0x88, $3  }
0x1: {  	(tag) =	ssettag $0x0;
	lr =	simm.s32 $0x1  }
0x2: {  	[smem:$0x3F9D] =	sst lr;
	_ =	strace $0xD0000000  }
0x3: {  	_ = 	snop  }
0x4: {  	_ = 	snop  }
0x5: {  	_ = 	snop  }
0x6: {  	_ = 	snop  }
0x7: {  	_ = 	snop  }
__scs_overlays_trampoline_lowered:
0x8: {  	[smem:$0x3FAC] =	sst s0  }
0x9: {  	[smem:$0x3FAD] =	sst s1  }
0xa: {  	[smem:$0x3FAE] =	sst s2  }
0xb: {  	[smem:$0x3FAF] =	sst s3  }
0xc: {  	[smem:$0x3FB0] =	sst s4  }
0xd: {  	[smem:$0x3FB1] =	sst s5  }
0xe: {  	[smem:$0x3FB2] =	sst s6  }
0xf: {  	[smem:$0x3FB3] =	sst s7  }
0x10: {  	[smem:$0x3FB4] =	sst s8  }
0x11: {  	[smem:$0x3FB5] =	sst s9;
	s0 =	simm.s32 @!p0 $0x0  }
0x12: {  	s1 =	sld [smem:$0x3F9B];
	s0 =	simm.s32 @p0 $0x1  }
0x13: {  	[smem:$0x3FB6] =	sst s0;
	s0 =	simm.s32 @!p1 $0x0  }
0x14: {  	s2 =	sld [smem:$0x3F9A];
	s0 =	simm.s32 @p1 $0x1  }
0x15: {  	[smem:$0x3FB7] =	sst s0;
	s0 =	simm.s32 @!p2 $0x0  }
0x16: {  	s3 =	sld [smem:$0x3FDB];
	s0 =	simm.s32 @p2 $0x1  }
0x17: {  	s4 =	simm.s32 $0x1BF5;
	[smem:$0x3FB9] =	sst s0  }
0x18: {  	s0 =	sld [smem:$0x3F9C];
	_ =	swait.ge [sflag:s4], $0x0  }
0x19: {  	s7 =	sld [smem:$0x3F9D]  }
0x1a: {  	s8 =	sadd.s32 $0xFFFFE003, lr  }
0x1b: {  	s9 =	sadd.s32 $0xFFFFFEF7, lr;
	s5 =	simm.s32 $0xFFFFFFFF;
	p2 =	slt.u32 s8, $0xFFFFF086  }
0x1c: {  	p1 =	slt.u32 s9, $0xF7A;
	s5 =	simm.s32 @!p2 $0x0  }
0x1d: {  	s5 =	simm.s32 @p1 $0x1;
	p0 =	seq.s32 s7, s2  }
0x1e: {  	s7 =	smul.u32 @!p0 $0xF7A, s2;
	p2 =	seq.s32 @!p0 s5, $0x0  }
0x1f: {  	s9 =	smul.u32 $0xF7A, s1;
	s8 =	simm.s32 @!p0 $0x1BF5;
	p2 =	por !p2, p0  }
0x20: {  	[sflag:s8] =	ssyncset.s32 @!p0 $0xFFFFF086;
	s6 =	sadd.s32 @!p0 s3, s7;
	s7 =	simm.s32 @!p0 $0x108  }
0x21: {  	s3 =	sadd.s32 s3, s9;
	s6 =	sadd.s32 @!p0 $0x88, s6;
	s7 =	simm.s32 @p2 $0x1082  }
0x22: {  	[simem:s7], [sflag:s8] =	dma.local @!p0 [hbm:s6], $0xF7A  }
0x23: {  	s9 =	sor.u32 $0xD0000000, s2;
	s6 =	simm.s32 $0x108;
	_ =	swait.ge @!p0 [sflag:s8], $0x0  }
0x24: {  	s3 =	sadd.s32 $0x88, s3;
	s6 =	simm.s32 @!p1 $0x1082;
	[sflag:s4] =	ssyncset.s32 $0xFFFFF086  }
0x25: {  	[simem:s6], [sflag:s4] =	dma.local [hbm:s3], $0xF7A  }
0x26: {  	[smem:$0x3F9D] =	sst s1;
	(tag) =	ssettag s2;
	_ =	strace s9  }
0x27: {  	s1 =	sld [smem:$0x3FAD]  }
0x28: {  	s2 =	sld [smem:$0x3FAE]  }
0x29: {  	s4 =	sld [smem:$0x3FB0]  }
0x2a: {  	p0 =	seq.s32 s5, $0x0;
	s5 =	sld [smem:$0x3FB1]  }
0x2b: {  	s6 =	sld [smem:$0x3FB2]  }
0x2c: {  	s7 =	sld [smem:$0x3FB3]  }
0x2d: {  	s3 =	simm.s32 $0x108;
	s8 =	sld [smem:$0x3FB4]  }
0x2e: {  	s3 =	simm.s32 @!p0 $0x1082;
	s9 =	sld [smem:$0x3FB5]  }
0x2f: {  	lr =	sadd.s32 s0, s3;
	s0 =	sld [smem:$0x3FAC]  }
0x30: {  	s3 =	sld [smem:$0x3FAF]  }
0x31: {  	[smem:$0x3FB8] =	sst s10  }
0x32: {  	s10 =	sld [smem:$0x3FB6];
	_ =	sdelay $0x3  }
0x33: {  	p0 =	seq.s32 s10, $0x1;
	s10 =	sld [smem:$0x3FB8];
	_ =	sdelay $0x3  }
0x34: {  	[smem:$0x3FB8] =	sst s10  }
0x35: {  	s10 =	sld [smem:$0x3FB7];
	_ =	sdelay $0x3  }
0x36: {  	p1 =	seq.s32 s10, $0x1;
	s10 =	sld [smem:$0x3FB8];
	_ =	sdelay $0x3  }
0x37: {  	[smem:$0x3FB8] =	sst s10  }
0x38: {  	s10 =	sld [smem:$0x3FB9]  }
0x39: {  	_ = 	snop;
	(pc) =	sbr.ind lr, $3  }
0x3a: {  	_ = 	snop  }
0x3b: {  	_ = 	snop  }
0x3c: {  	p2 =	seq.s32 s10, $0x1;
	s10 =	sld [smem:$0x3FB8]  }
0x3d: {  	_ =	shalt  }
0x3e: {  	_ =	shalt  }
0x3f: {  	_ =	shalt  }
0x40: {  	_ =	shalt  }
0x41: {  	_ =	shalt  }
0x42: {  	_ =	shalt  }
0x43: {  	_ =	shalt  }
0x44: {  	_ =	shalt  }
0x45: {  	_ =	shalt  }
0x46: {  	_ =	shalt  }
0x47: {  	_ =	shalt  }
0x48: {  	_ =	shalt  }
0x49: {  	_ =	shalt  }
0x4a: {  	_ =	shalt  }
0x4b: {  	_ =	shalt  }
0x4c: {  	_ =	shalt  }
0x4d: {  	_ =	shalt  }
0x4e: {  	_ =	shalt  }
0x4f: {  	_ =	shalt  }
0x50: {  	_ =	shalt  }
0x51: {  	_ =	shalt  }
0x52: {  	_ =	shalt  }
0x53: {  	_ =	shalt  }
0x54: {  	_ =	shalt  }
0x55: {  	_ =	shalt  }
0x56: {  	_ =	shalt  }
0x57: {  	_ =	shalt  }
0x58: {  	_ =	shalt  }
0x59: {  	_ =	shalt  }
0x5a: {  	_ =	shalt  }
0x5b: {  	_ =	shalt  }
0x5c: {  	_ =	shalt  }
0x5d: {  	_ =	shalt  }
0x5e: {  	_ =	shalt  }
0x5f: {  	_ =	shalt  }
0x60: {  	_ =	shalt  }
0x61: {  	_ =	shalt  }
0x62: {  	_ =	shalt  }
0x63: {  	_ =	shalt  }
0x64: {  	_ =	shalt  }
0x65: {  	_ =	shalt  }
0x66: {  	_ =	shalt  }
0x67: {  	_ =	shalt  }
0x68: {  	_ =	shalt  }
0x69: {  	_ =	shalt  }
0x6a: {  	_ =	shalt  }
0x6b: {  	_ =	shalt  }
0x6c: {  	_ =	shalt  }
0x6d: {  	_ =	shalt  }
0x6e: {  	_ =	shalt  }
0x6f: {  	_ =	shalt  }
0x70: {  	_ =	shalt  }
0x71: {  	_ =	shalt  }
0x72: {  	_ =	shalt  }
0x73: {  	_ =	shalt  }
0x74: {  	_ =	shalt  }
0x75: {  	_ =	shalt  }
0x76: {  	_ =	shalt  }
0x77: {  	_ =	shalt  }
0x78: {  	_ =	shalt  }
0x79: {  	_ =	shalt  }
0x7a: {  	_ =	shalt  }
0x7b: {  	_ =	shalt  }
0x7c: {  	_ =	shalt  }
0x7d: {  	_ =	shalt  }
0x7e: {  	_ =	shalt  }
0x7f: {  	_ =	shalt  }
0x80: {  	_ =	shalt  }
0x81: {  	_ =	shalt  }
0x82: {  	_ =	shalt  }
0x83: {  	_ =	shalt  }
0x84: {  	_ =	shalt  }
0x85: {  	_ =	shalt  }
0x86: {  	_ =	shalt  }
0x87: {  	_ =	shalt  }
.Lfunc_end0:
.L_simem_size_0:
called_computation.1_lowered:
.L_overlay_start_0:
0x88: {  	s2 =	sld [smem:$0x3FD9]  }
0x89: {  	s3 =	sld [smem:$0x3FFE];
	_ =	sdelay $0x1  }
0x8a: {  	s1 =	srdreg.scid  }
0x8b: {  	s0 =	sand.u32 $0x1, s1  }
0x8c: {  	s14 =	sshll.u32 s0, $0xA;
	s2 =	sadd.s32 s3, s2  }
0x8d: {  	s2 =	sadd.s32 s2, s14  }
0x8e: {  	[smem:$0x3FC4] =	sst s2  }
0x8f: {  	_ = 	snop  }
0x90: {  	s2 =	sld [smem:$0x3FD0];
	_ =	sdelay $0x2  }
0x91: {  	s4 =	simm.s32 $0xA;
	s5 =	simm.s32 $0x10;
	s15 =	sld [smem:$0x3FC9]  }
0x92: {  	[smem:s5], [sflag:s4] =	dma.local [hbm:s2], $0x1  }
0x93: {  	_ =	swait.eq [sflag:s4], $0x1  }
0x94: {  	[sflag:s4] =	ssyncset.done $0x0  }
0x95: {  	s16 =	sld [smem:$0x10];
	[sflag:s4] =	ssyncadd.s32 $0xFFFFFFFF  }
0x96: {  	s17 =	sld [smem:$0x11];
	(tm) =	ssettm $0x1  }
0x97: {  	s18 =	sld [smem:$0x3FFB];
	_ =	sdelay $0x3  }
0x98: {  	_ =	strace s18  }
0x99: {  	s5 =	sld [smem:$0x3FFC];
	_ =	sdelay $0x3  }
0x9a: {  	_ =	strace s5  }
0x9b: {  	s5 =	sld [smem:$0x3FFD];
	_ =	sdelay $0x3  }
0x9c: {  	_ =	strace s5  }
0x9d: {  	_ =	strace $0x8FFFFFFF  }
0x9e: {  	s19 =	sld [smem:$0x3FDB];
	_ =	sdelay $0x1  }
0x9f: {  	s6 =	simm.s32 $_scs_section_size  }
0xa0: {  	s7 =	simm.s32 $_size__tile_overlayer_lowered;
	s8 =	simm.s32 $_tile_overlayer_lowered  }
0xa1: {  	s22 =	simm.s32 $0x1BFF;
	s21 =	sshll.u32 s8, $0x1;
	s5 =	sadd.s32 s6, s19  }
0xa2: {  	s9 =	simm.s32 $0x0;
	s20 =	sshll.u32 s7, $0x1;
	s7 =	sadd.s32 s21, s5  }
0xa3: {  	[timem:s9], [sflag:s22] =	dma.local [hbm:s7], s20  }
0xa4: {  	_ =	swait.ge [sflag:s22], s20  }
0xa5: {  	s6 =	ssub.s32 $0x0, s20;
	[sflag:s22] =	ssyncset.done $0x0  }
0xa6: {  	[sflag:s22] =	ssyncadd.s32 s6;
	_ =	sdelay $0x1  }
0xa7: {  	s23 =	simm.s32 $0x1B8B  }
0xa8: {  	_ =	swait.ge [sflag:s23], $0x1  }
0xa9: {  	[sflag:s23] =	ssyncset.done $0x0  }
0xaa: {  	s25 =	simm.s32 $0x1B8E;
	s24 =	sld [smem:$0x3FFE];
	[sflag:s23] =	ssyncadd.s32 $0xFFFFFFFF  }
0xab: {  	s26 =	simm.s32 $execute0_lowered;
	[smem:$0x3FD2] =	sst s25  }
0xac: {  	s7 =	sshll.u32 s26, $0x1;
	_ =	strace $0x80000046;
	[dreg:$0x1] =	wrdreg $0xFFFFFFFF  }
0xad: {  	s28 =	simm.s32 $_size_execute0_lowered;
	s5 =	sadd.s32 s5, s7;
	[dreg:$0x0] =	wrdreg $0x0  }
0xae: {  	s7 =	sshll.u32 s28, $0x1;
	[dreg:$0x2] =	wrdreg s5  }
0xaf: {  	[dreg:$0x3] =	wrdreg s7  }
0xb0: {  	[dreg:$0x4] =	wrdreg $0xC0  }
0xb1: {  	_ =	task [dreg:s9], $0x5FFFF  }
0xb2: {  	[dreg:$0x1] =	wrdreg $0xFFFFFFFF  }
0xb3: {  	[dreg:$0x0] =	wrdreg $0x60  }
0xb4: {  	[dreg:$0x2] =	wrdreg s15  }
0xb5: {  	[dreg:$0x3] =	wrdreg s24  }
0xb6: {  	[dreg:$0x4] =	wrdreg s16  }
0xb7: {  	[dreg:$0x5] =	wrdreg s17  }
0xb8: {  	[dreg:$0x6] =	wrdreg $0x9  }
0xb9: {  	_ =	task.clear_ibuf [dreg:s9], $0x7FFFF;
	_ =	strace $0x90000046  }
0xba: {  	s29 =	simm.s32 $0x9;
	_ =	strace $0x80000048  }
0xbb: {  	_ =	swait.ge [sflag:s29], $0x1  }
0xbc: {  	[sflag:s29] =	ssyncadd.s32 $0xFFFFFFFF  }
0xbd: {  	_ =	strace $0x90000048  }
0xbe: {  	_ =	sfence  }
0xbf: {  	s30 =	sld [smem:$0x0];
	_ =	sdelay $0x2  }
0xc0: {  	s31 =	sshll.u32 s1, $0xD;
	s1 =	sshrl.u32 s1, $0x2  }
0xc1: {  	s3 =	sand.u32 $0x4000, s31;
	s1 =	sadd.s32 s1, s30  }
0xc2: {  	s0 =	sor.u32 s3, s0;
	s1 =	sshll.u32 s1, $0x11  }
0xc3: {  	s0 =	sor.u32 s1, s0  }
0xc4: {  	s0 =	sadd.s32 $0x8F2B, s0  }
0xc5: {  	[sflag:s0] =	ssyncadd.remote.s32 $0x1  }
0xc6: {  	_ =	sfence.sel $0xFFFF  }
0xc7: {  	[dreg:$0x0] =	wrdreg $0xFFFFFFFF;
	(pc) =	sbr.abs _section_cstart, $3  }
0xc8: {  	[dreg:$0x1] =	wrdreg $0xFFFFFFFF  }
0xc9: {  	_ =	task.clear_ibuf [dreg:s9], $0x2FFFF;
	_ =	strace $0x9FFFFFFF  }
0xca: {  	(tm) =	ssettm $0x7FFFFFFF  }
0xcb: {  	_ =	shalt  }
tec
execute0_lowered:
.L_overlay_start_1:
0x0: {  	(tag) =	ssettag $0x1  }
0x1: {  	s0 =	rddreg [dreg:$0x0]  }
0x2: {  	s1 =	rddreg [dreg:$0x1]  }
0x3: {  	s3 =	rddreg [dreg:$0x2]  }
0x4: {  	s5 =	rddreg [dreg:$0x3];
	s2 =	simm.s32 $0x0  }
0x5: {  	s4 =	srdreg.scid;
	s10 =	stileid.u32;
	s14 =	simm.s32 $0xA  }
0x6: {  	s15 =	simm.s32 $0x80;
	s16 =	simm.s32 $0x2080;
	s17 =	simm.s32 $0x1  }
0x7: {  	s28 =	simm.s32 $0x3;
	s29 =	simm.s32 $0x4;
	s30 =	simm.s32 $0x5  }
0x8: {  	s31 =	simm.s32 $0x6;
	[smem:$0x7FF] =	sst s2;
	s6 =	sand.u32 $0x1, s4  }
0x9: {  	s18 =	sadd.s32 $0x2A00, s1;
	s4 =	sadd.s32 $0xC6000, s1;
	s1 =	sadd.s32 $0x189600, s1  }
0xa: {  	s7 =	sshll.u32 s10, $0x8;
	s22 =	sshll.u32 s10, $0x11;
	_ =	strace $0x80000047  }
0xb: {  	[dreg:$0x5] =	wrdreg s18;
	s8 =	sshll.u32 s6, $0x7;
	s9 =	ssub.s32 $0x2, s6  }
0xc: {  	[dreg:$0x6] =	wrdreg s1;
	s23 =	sadd.s32 s22, s3;
	s24 =	sshll.u32 s6, $0x10  }
0xd: {  	s18 =	simm.s32 $0x40;
	s7 =	sor.u32 s8, s7;
	s19 =	sshrl.u32 s9, $0x1  }
0xe: {  	s22 =	simm.s32 $0x0;
	s8 =	sshrl.u32 s7, $0x3;
	s1 =	ssub.s32 s9, s19  }
0xf: {  	s20 =	sshll.u32 s7, $0x3;
	s21 =	sshll.u32 s7, $0x9;
	s0 =	sadd.s32 s0, s8  }
0x10: {  	s19 =	simm.s32 $0x4080;
	s1 =	smax.u32 s1, $0x1;
	[dreg:$0x7] =	wrdreg s0  }
0x11: {  	s8 =	sadd.s32 s3, s21;
	s0 =	sadd.s32 s5, s20;
	[dreg:$0xb] =	wrdreg s1  }
0x12: {  	s21 =	simm.s32 $0x5080;
	s25 =	sadd.s32 $0xFC00, s8;
	[dreg:$0x8] =	wrdreg s0  }
0x13: {  	s26 =	sadd.s32 $0xFE00, s8;
	s12 =	sadd.s32 $0x200, s8;
	[dreg:$0x9] =	wrdreg s25  }
0x14: {  	s1 =	simm.s32 $0x8;
	s20 =	simm.s32 $0x9;
	[dreg:$0xa] =	wrdreg s26  }
0x15: {  	s0 =	sadd.s32 s24, s23;
	s23 =	simm.s32 $0x6080;
	s24 =	simm.s32 $0x2  }
0x16: {  	s26 =	simm.s32 $0x7080;
	s6 =	sadd.s32 $0x400, s0;
	s0 =	simm.s32 $0x7  }
.LBB2_1:
0x17: {  	s3 =	rddreg [dreg:$0x7]  }
0x18: {  	[tilespmem:s2], [sflag:$0xA] =	stream.linear.gather [hbm4b:s3+s2], $0x80, $0x38;
	[tilespmem:$0x8080] =	vst v63  }
0x19: {  	_ =	swait.ge [sflag:s14], $0x80  }
0x1a: {  	[sflag:s14] =	ssyncset.done $0x0  }
0x1b: {  	s11 =	rddreg [dreg:$0x5];
	[sflag:s14] =	ssyncadd.s32 $0xFFFFFF80  }
0x1c: {  	[tilespmem:s15], [sflag:$0x1] =	stream.indirect.gather [hbm4b:s11+s15], $0x40, s2, s15, $0xb8;
	[tilespmem:$0x8080] =	vst v63  }
0x1d: {  	s13 =	rddreg [dreg:$0x6]  }
0x1e: {  	[tilespmem:s16], [sflag:$0x1] =	stream.indirect.gather [hbm4b:s13+s15], $0x40, s2, s15, $0xb8;
	[tilespmem:$0x8080] =	vst v63  }
0x1f: {  	_ =	swait.ge [sflag:s17], $0x2000  }
0x20: {  	[sflag:s17] =	ssyncset.done $0x0  }
0x21: {  	[sflag:s17] =	ssyncadd.s32 $0xFFFFE000  }
0x22: {  	_ =	swait.ge [sflag:s17], $0x2000  }
0x23: {  	[sflag:s17] =	ssyncset.done $0x0  }
0x24: {  	s25 =	rddreg [dreg:$0x8];
	[sflag:s17] =	ssyncadd.s32 $0xFFFFE000  }
0x25: {  	[hbm4b:s25+s2] =	stream.linear.scatter [tilespmem:s16], [sflag:$0xA], $0x2000, $0x38;
	[tilespmem:$0x8080] =	vst v63  }
0x26: {  	_ =	swait.ge [sflag:s14], $0x2000  }
0x27: {  	[sflag:s14] =	ssyncset.done $0x0  }
0x28: {  	[sflag:s14] =	ssyncadd.s32 $0xFFFFE000  }
0x29: {  	[tilespmem:s19], [sflag:$0x2] =	stream.indirect.gather [hbm4b:s4+s18], $0x40, s15, s18, $0xb8;
	[tilespmem:$0x8080] =	vst v63  }
0x2a: {  	s5 =	simm.s32 $0xC0  }
0x2b: {  	[tilespmem:s21], [sflag:$0x3] =	stream.indirect.gather [hbm4b:s4+s18], $0x40, s5, s18, $0xb8;
	[tilespmem:$0x8080] =	vst v63  }
0x2c: {  	s7 =	simm.s32 $0x100  }
0x2d: {  	[tilespmem:s23], [sflag:$0x4] =	stream.indirect.gather [hbm4b:s4+s18], $0x40, s7, s18, $0xb8;
	[tilespmem:$0x8080] =	vst v63  }
0x2e: {  	_ =	swait.ge [sflag:s24], $0x1000  }
0x2f: {  	[sflag:s24] =	ssyncset.done $0x0  }
0x30: {  	[sflag:s24] =	ssyncadd.s32 $0xFFFFF000  }
0x31: {  	[hbm4b:s8+s2] =	stream.linear.scatter [tilespmem:s19], [sflag:$0x6], $0x1000, $0x38;
	[tilespmem:$0x8080] =	vst v63  }
0x32: {  	s9 =	simm.s32 $0x140  }
0x33: {  	[tilespmem:s26], [sflag:$0x5] =	stream.indirect.gather [hbm4b:s4+s18], $0x40, s9, s18, $0xb8;
	[tilespmem:$0x8080] =	vst v63  }
0x34: {  	s10 =	sand.u32 $0x3, s29;
	_ =	swait.ge [sflag:s28], $0x1000  }
0x35: {  	s3 =	sadd.s32 $0x2, s10;
	s25 =	simm.s32 $0x180;
	[sflag:s28] =	ssyncset.done $0x0  }
0x36: {  	s5 =	sadd.s32 $0x6, s10;
	s9 =	simm.s32 $0x2;
	[sflag:s28] =	ssyncadd.s32 $0xFFFFF000  }
0x37: {  	[hbm4b:s12+s2] =	stream.linear.scatter [tilespmem:s21], [sflag:$0x7], $0x1000, $0x38;
	[tilespmem:$0x8080] =	vst v63  }
0x38: {  	s7 =	sshll.u32 s10, $0xC;
	s9 =	sand.u32 $0x3, s9;
	_ =	swait.ge [sflag:s5], $0x1000  }
0x39: {  	s11 =	sor.u32 $0x4080, s7;
	s7 =	sadd.s32 $0x2, s9;
	[sflag:s5] =	ssyncset.done $0x0  }
0x3a: {  	s13 =	sshll.u32 s9, $0xC;
	s9 =	sadd.s32 $0x6, s9;
	[sflag:s5] =	ssyncadd.s32 $0xFFFFF000  }
0x3b: {  	[tilespmem:s11], [sflag:s3] =	stream.indirect.gather [hbm4b:s4+s18], $0x40, s25, s18, $0xb8;
	[tilespmem:$0x8080] =	vst v63  }
0x3c: {  	s10 =	sor.u32 $0x4080, s13;
	s13 =	smov.u32 s6;
	_ =	swait.ge [sflag:s7], $0x1000  }
0x3d: {  	s5 =	smov.u32 s6;
	s3 =	simm.s32 $0x5;
	[sflag:s7] =	ssyncset.done $0x0  }
.LBB2_2:
0x3e: {  	[sflag:s7] =	ssyncadd.s32 $0xFFFFF000  }
0x3f: {  	s25 =	sadd.s32 $0x40, s25;
	s13 =	sadd.s32 $0x200, s13;
	s7 =	smov.u32 s3  }
0x40: {  	[hbm4b:s5+s2] =	stream.linear.scatter [tilespmem:s10], [sflag:s9], $0x1000, $0x38;
	[tilespmem:$0x8080] =	vst v63  }
0x41: {  	p0 =	sne.s32 s3, $0x7F;
	s3 =	sadd.s32 $0x1, s3;
	s9 =	sand.u32 $0x3, s7  }
0x42: {  	s5 =	smov.u32 s13;
	s10 =	sadd.s32 $0x6, s9;
	s11 =	sshll.u32 s9, $0xC  }
0x43: {  	_ =	swait.ge [sflag:s10], $0x1000  }
0x44: {  	s7 =	sadd.s32 $0xFFFFFFFE, s7;
	s9 =	sadd.s32 $0x2, s9;
	[sflag:s10] =	ssyncset.done $0x0  }
0x45: {  	[sflag:s10] =	ssyncadd.s32 $0xFFFFF000  }
.Ltmp0:
0x46: {  	s10 =	sor.u32 $0x4080, s11;
	s11 =	sand.u32 $0x3, s7;
	(pc) =	sbr.rel @p0 .LBB2_2-.Ltmp0, $4  }
0x47: {  	[tilespmem:s10], [sflag:s9] =	stream.indirect.gather [hbm4b:s4+s18], $0x40, s25, s18, $0xb8;
	[tilespmem:$0x8080] =	vst v63  }
0x48: {  	s7 =	sadd.s32 $0x2, s11;
	s10 =	sshll.u32 s11, $0xC  }
0x49: {  	_ =	swait.ge [sflag:s7], $0x1000  }
0x4a: {  	s9 =	sadd.s32 $0x6, s11;
	s10 =	sor.u32 $0x4080, s10;
	[sflag:s7] =	ssyncset.done $0x0  }
0x4b: {  	[sflag:s7] =	ssyncadd.s32 $0xFFFFF000  }
0x4c: {  	[hbm4b:s5+s2] =	stream.linear.scatter [tilespmem:s10], [sflag:s9], $0x1000, $0x38;
	[tilespmem:$0x8080] =	vst v63  }
0x4d: {  	_ =	swait.ge [sflag:s29], $0x1000  }
0x4e: {  	[sflag:s29] =	ssyncset.done $0x0  }
0x4f: {  	s3 =	rddreg [dreg:$0x9];
	[sflag:s29] =	ssyncadd.s32 $0xFFFFF000  }
0x50: {  	[hbm4b:s3+s2] =	stream.linear.scatter [tilespmem:s23], [sflag:$0x8], $0x1000, $0x38;
	[tilespmem:$0x8080] =	vst v63  }
0x51: {  	_ =	swait.ge [sflag:s30], $0x1000  }
0x52: {  	[sflag:s30] =	ssyncset.done $0x0  }
0x53: {  	s13 =	rddreg [dreg:$0xa];
	[sflag:s30] =	ssyncadd.s32 $0xFFFFF000  }
0x54: {  	[hbm4b:s13+s2] =	stream.linear.scatter [tilespmem:s26], [sflag:$0x9], $0x1000, $0x38;
	[tilespmem:$0x8080] =	vst v63  }
0x55: {  	_ =	swait.ge [sflag:s31], $0x1000  }
0x56: {  	[sflag:s31] =	ssyncset.done $0x0  }
0x57: {  	[sflag:s31] =	ssyncadd.s32 $0xFFFFF000  }
0x58: {  	_ =	swait.ge [sflag:s0], $0x1000  }
0x59: {  	[sflag:s0] =	ssyncset.done $0x0  }
0x5a: {  	[sflag:s0] =	ssyncadd.s32 $0xFFFFF000  }
0x5b: {  	_ =	swait.ge [sflag:s1], $0x1000  }
0x5c: {  	[sflag:s1] =	ssyncset.done $0x0  }
0x5d: {  	[sflag:s1] =	ssyncadd.s32 $0xFFFFF000  }
0x5e: {  	_ =	swait.ge [sflag:s20], $0x1000  }
0x5f: {  	s22 =	sadd.s32 $0x1, s22;
	s25 =	rddreg [dreg:$0xb]  }
0x60: {  	p0 =	sne.s32 s22, s25  }
.Ltmp1:
0x61: {  	_ = 	snop;
	(pc) =	sbr.rel @p0 .LBB2_1-.Ltmp1, $3  }
0x62: {  	_ =	sdelay $0x1  }
0x63: {  	[sflag:s20] =	ssyncset.done $0x0  }
0x64: {  	[sflag:s20] =	ssyncadd.s32 $0xFFFFF000  }
0x65: {  	_ =	sfence.sel $0x180000  }
0x66: {  	[bflag:$0x0] =	sbarrier.arrive $0xFFFF  }
0x67: {  	_ =	strace $0x90000047  }
0x68: {  	s0 =	stileid.u32;
	[bflag:$0x2] =	sbarrier.arrive $0xFFFF  }
0x69: {  	p0 =	sne.s32 s0, $0x0;
	s0 =	rddreg [dreg:$0x4]  }
0x6a: {  	s0 =	sadd.s32 @!p0 $0x100000, s0  }
0x6b: {  	[sflag:s0] =	ssyncadd.tile.s32 @!p0 $0x1;
	_ =	shalt  }
.Lfunc_end2:
_tile_overlayer_lowered:
.L_overlay_start_2:
0x6c: {  	(tag) =	ssettag $0x2  }
0x6d: {  	s0 =	rddreg [dreg:$0x0];
	s2 =	stileid.u32  }
0x6e: {  	s1 =	rddreg [dreg:$0x1];
	p0 =	sne.s32 s2, $0x0  }
0x6f: {  	s3 =	rddreg [dreg:$0x2];
	[bflag:$0x3] =	sbarrier.arrive $0xFFFF;
	s2 =	simm.s32 @!p0 $0x1C0A  }
0x70: {  	[timem:s3], [sflag:s2] =	dma.local @!p0 [hbm:s0], s1  }
0x71: {  	s0 =	simm.s32 @!p0 $0xA  }
0x72: {  	_ =	swait.ge @!p0 [sflag:s0], s1  }
0x73: {  	s1 =	ssub.s32 @!p0 $0x0, s1;
	[sflag:s0] =	ssyncset.done @!p0 $0x0  }
0x74: {  	[sflag:s0] =	ssyncadd.s32 @!p0 s1  }
0x75: {  	[bflag:$0x3] =	sbarrier.arrive $0xFFFF  }
0x76: {  	_ =	shalt  }

// kernel: sparse-core-data-format-call.cloned.1.call-start
scs
called_computation_lowered:
.L_overlay_start_0:
0x0: {  	s2 =	sld [smem:$0x3FD9]  }
0x1: {  	s3 =	sld [smem:$0x3FFE];
	_ =	sdelay $0x1  }
0x2: {  	s1 =	srdreg.scid  }
0x3: {  	s0 =	sand.u32 $0x1, s1  }
0x4: {  	s15 =	sshll.u32 s0, $0xA;
	s2 =	sadd.s32 s3, s2  }
0x5: {  	s2 =	sadd.s32 s2, s15  }
0x6: {  	[smem:$0x3FC4] =	sst s2  }
0x7: {  	_ = 	snop  }
0x8: {  	s2 =	sld [smem:$0x3FD0];
	_ =	sdelay $0x2  }
0x9: {  	s16 =	simm.s32 $0xA;
	s4 =	simm.s32 $0x10  }
0xa: {  	[smem:s4], [sflag:s16] =	dma.local [hbm:s2], $0x1  }
0xb: {  	_ =	swait.eq [sflag:s16], $0x1  }
0xc: {  	[sflag:s16] =	ssyncset.done $0x0  }
0xd: {  	[sflag:s16] =	ssyncadd.s32 $0xFFFFFFFF  }
0xe: {  	s17 =	sld [smem:$0x10];
	(tm) =	ssettm $0x1  }
0xf: {  	s18 =	sld [smem:$0x3FFB];
	_ =	sdelay $0x3  }
0x10: {  	_ =	strace s18  }
0x11: {  	s3 =	sld [smem:$0x3FFC];
	_ =	sdelay $0x3  }
0x12: {  	_ =	strace s3  }
0x13: {  	s3 =	sld [smem:$0x3FFD];
	_ =	sdelay $0x3  }
0x14: {  	_ =	strace s3  }
0x15: {  	_ =	strace $0x8FFFFFFF  }
0x16: {  	s19 =	sld [smem:$0x3FDB];
	_ =	sdelay $0x1  }
0x17: {  	s20 =	simm.s32 $_scs_section_size  }
0x18: {  	s5 =	simm.s32 $_size__tile_overlayer_lowered;
	s6 =	simm.s32 $_tile_overlayer_lowered  }
0x19: {  	s23 =	simm.s32 $0x1BFF;
	s22 =	sshll.u32 s6, $0x1;
	s3 =	sadd.s32 s20, s19  }
0x1a: {  	s7 =	simm.s32 $0x0;
	s21 =	sshll.u32 s5, $0x1;
	s5 =	sadd.s32 s22, s3  }
0x1b: {  	[timem:s7], [sflag:s23] =	dma.local [hbm:s5], s21  }
0x1c: {  	_ =	swait.ge [sflag:s23], s21  }
0x1d: {  	s4 =	ssub.s32 $0x0, s21;
	[sflag:s23] =	ssyncset.done $0x0  }
0x1e: {  	[sflag:s23] =	ssyncadd.s32 s4;
	_ =	sdelay $0x1  }
0x1f: {  	s24 =	simm.s32 $0x1B8B  }
0x20: {  	_ =	swait.ge [sflag:s24], $0x1  }
0x21: {  	[sflag:s24] =	ssyncset.done $0x0  }
0x22: {  	s26 =	simm.s32 $0x1B8E;
	s25 =	sld [smem:$0x3FFE];
	[sflag:s24] =	ssyncadd.s32 $0xFFFFFFFF  }
0x23: {  	s27 =	simm.s32 $execute0_lowered;
	[smem:$0x3FD2] =	sst s26  }
0x24: {  	s5 =	sshll.u32 s27, $0x1;
	_ =	strace $0x80000049;
	[dreg:$0x1] =	wrdreg $0xFFFFFFFF  }
0x25: {  	s28 =	simm.s32 $_size_execute0_lowered;
	s3 =	sadd.s32 s3, s5;
	[dreg:$0x0] =	wrdreg $0x0  }
0x26: {  	s5 =	sshll.u32 s28, $0x1;
	[dreg:$0x2] =	wrdreg s3  }
0x27: {  	[dreg:$0x3] =	wrdreg s5  }
0x28: {  	[dreg:$0x4] =	wrdreg $0xC0  }
0x29: {  	_ =	task [dreg:s7], $0x5FFFF  }
0x2a: {  	[dreg:$0x1] =	wrdreg $0xFFFFFFFF  }
0x2b: {  	[dreg:$0x0] =	wrdreg $0x60  }
0x2c: {  	[dreg:$0x2] =	wrdreg s25  }
0x2d: {  	[dreg:$0x3] =	wrdreg s17  }
0x2e: {  	[dreg:$0x4] =	wrdreg $0x9  }
0x2f: {  	_ =	task.clear_ibuf [dreg:s7], $0x5FFFF;
	_ =	strace $0x90000049  }
0x30: {  	s29 =	simm.s32 $0x9;
	_ =	strace $0x8000004B  }
0x31: {  	_ =	swait.ge [sflag:s29], $0x1  }
0x32: {  	[sflag:s29] =	ssyncadd.s32 $0xFFFFFFFF  }
0x33: {  	_ =	strace $0x9000004B  }
0x34: {  	_ =	sfence  }
0x35: {  	s30 =	sld [smem:$0x0];
	_ =	sdelay $0x2  }
0x36: {  	s31 =	sshll.u32 s1, $0xD;
	s1 =	sshrl.u32 s1, $0x2  }
0x37: {  	s3 =	sand.u32 $0x4000, s31;
	s1 =	sadd.s32 s1, s30  }
0x38: {  	s0 =	sor.u32 s3, s0;
	s1 =	sshll.u32 s1, $0x11  }
0x39: {  	s0 =	sor.u32 s1, s0  }
0x3a: {  	s0 =	sadd.s32 $0x8F2B, s0  }
0x3b: {  	[sflag:s0] =	ssyncadd.remote.s32 $0x1  }
0x3c: {  	_ =	sfence.sel $0xFFFF  }
0x3d: {  	[dreg:$0x0] =	wrdreg $0xFFFFFFFF;
	(pc) =	sbr.abs _section_cstart, $3  }
0x3e: {  	[dreg:$0x1] =	wrdreg $0xFFFFFFFF  }
0x3f: {  	_ =	task.clear_ibuf [dreg:s7], $0x2FFFF;
	_ =	strace $0x9FFFFFFF  }
0x40: {  	(tm) =	ssettm $0x7FFFFFFF  }
0x41: {  	_ =	shalt  }
tec
execute0_lowered:
.L_overlay_start_1:
0x0: {  	(tag) =	ssettag $0x1  }
0x1: {  	s0 =	srdreg.scid  }
0x2: {  	s1 =	sshll.u32 s0, $0x4  }
0x3: {  	s4 =	rddreg [dreg:$0x0];
	s0 =	stileid.u32;
	s1 =	sand.u32 $0x10, s1  }
0x4: {  	s2 =	rddreg [dreg:$0x1];
	s7 =	simm.s32 $0x1;
	s1 =	sor.u32 s0, s1  }
0x5: {  	s8 =	simm.s32 $0x2;
	s11 =	simm.s32 $0x0;
	s3 =	sshll.u32 s1, $0x7  }
0x6: {  	s10 =	simm.s32 $0x0;
	s4 =	sadd.s32 $0x2A00, s4;
	s6 =	ssub.s32 $0x40000, s3  }
.Ltmp0:
0x7: {  	s1 =	rddreg [dreg:$0x2];
	s5 =	sand.u32 $0xF80, s6;
	(pc) =	sbr.rel .LBB1_1-.Ltmp0, $4  }
0x8: {  	_ =	strace $0x8000004A;
	s9 =	smov.u32 s3;
	p0 =	sne.s32 s5, $0x0  }
0x9: {  	s6 =	sshrl.u32 s6, $0xC;
	s5 =	simm.s32 $0x1;
	s7 =	simm.s32 @!p0 $0x0  }
0xa: {  	[sflag:s5] =	ssyncpa.u1 $0x0;
	p0 =	por $0x0, $0x0;
	s6 =	sadd.s32 s7, s6  }
0xb: {  	[sflag:s8] =	ssyncpa.u1 $0x0;
	s8 =	simm.s32 $0x200000;
	s7 =	sadd.s32 $0x1, s6  }
.LBB1_4:
0xc: {  	s14 =	sshll.u32 s11, $0x3  }
0xd: {  	s15 =	sand.u32 $0x78, s11;
	s14 =	sand.u32 $0x3FC00, s14  }
0xe: {  	[tilespmem:s13+$0x810 ss:$0x81] =	vst.msk $0xffff, v2;
	s29 =	sand.u32 $0x1F8000, s11;
	s30 =	sand.u32 $0x7, s11;
	s14 =	sor.u32 s15, s14  }
0xf: {  	[tilespmem:s13+$0x1020 ss:$0x81] =	vst.msk $0xffff, v0;
	s11 =	sshll.u32 s30, $0x12;
	s15 =	sadd.s32 s2, s29;
	s14 =	sshrl.u32 s14, $0x3  }
0x10: {  	[tilespmem:s13+$0x0 ss:$0x81] =	vst.msk $0xffff, v1;
	s11 =	sor.u32 $0x400, s11;
	s31 =	sadd.s32 s14, s15  }
0x11: {  	[hbm4b:s31+s11] =	stream.strided.scatter [tilespmem:s12], [sflag:$0x2], $0x2000, s8, s11, $0x20;
	[tilespmem:$0x8080] =	vst v63  }
.LBB1_5:
0x12: {  	s13 =	sadd.s32 $0x1000, s9  }
0x13: {  	p2 =	sgt.s32 s13, $0x3FFFF  }
0x14: {  	s13 =	smov.u32 @p2 s3;
	p2 =	sne.s32 s10, s7  }
.Ltmp1:
0x15: {  	p1 =	slt.u32 s10, $0x2;
	(pc) =	sbr.rel @!p2 .LBB1_6-.Ltmp1, $4  }
0x16: {  	s12 =	simm.s32 @!p1 $0x2  }
0x17: {  	s14 =	sadd.s32 $0x1, s10;
	_ =	swait.ge @!p1 [sflag:s12], $0x2000  }
0x18: {  	s11 =	smov.u32 s9;
	p0 =	por !p0, !p0;
	[sflag:s12] =	ssyncset.done @!p1 $0x0  }
0x19: {  	s10 =	smov.u32 s14;
	s9 =	smov.u32 s13;
	[sflag:s12] =	ssyncadd.s32 @!p1 $0xFFFFE000  }
.LBB1_1:
0x1a: {  	p1 =	sge.u32 s10, s6  }
0x1b: {  	s31 =	sadd.s32 $0xFFFFFFFF, s10;
	s12 =	sxor.u32 @!p1 $0xFFFFFFFF, s10;
	s13 =	sshll.u32 @!p1 s9, $0x4  }
0x1c: {  	s14 =	simm.s32 @!p1 $0x40;
	s12 =	sshll.u32 @!p1 s12, $0xD;
	s13 =	sand.u32 @!p1 $0x3FFFF0, s13  }
0x1d: {  	s15 =	simm.s32 @!p1 $0x80;
	s12 =	sand.u32 @!p1 $0x2000, s12;
	s13 =	sadd.s32 @!p1 s4, s13  }
0x1e: {  	[tilespmem:s12], [sflag:$0x1] =	stream.strided.gather @!p1 [hbm4b:s13+s14], $0x2000, s15, s14, $0x38;
	[tilespmem:$0x8080] =	vst v63  }
0x1f: {  	p1 =	sge.u32 s31, s6  }
.Ltmp2:
0x20: {  	_ = 	snop;
	(pc) =	sbr.rel @p1 .LBB1_5-.Ltmp2, $1  }
0x21: {  	_ =	sdelay $0x3  }
0x22: {  	s12 =	simm.s32 $0x1  }
0x23: {  	_ =	swait.ge [sflag:s5], $0x2000;
	s12 =	simm.s32 @!p0 $0x0  }
0x24: {  	[sflag:s5] =	ssyncset.done $0x0;
	s13 =	sshll.u32 s12, $0xD  }
0x25: {  	[sflag:s5] =	ssyncadd.s32 $0xFFFFE000;
	s16 =	sor.u32 $0x20, s13  }
0x26: {  	s12 =	smul.u32 $0x8100, s12;
	v3 =	vld [tilespmem:s16+$0x10]  }
0x27: {  	s30 =	sand.u32 $0x1, s10;
	v2 =	vld [tilespmem:s16+$0xFFFFFFF0]  }
0x28: {  	s13 =	smul.u32 $0x8100, s30;
	s12 =	sshrl.u32 s12, $0x2;
	v0 =	vld [tilespmem:s16+$0x0]  }
0x29: {  	v1 =	vld [tilespmem:s16+$0xFFFFFFE0];
	s14 =	sor.u32 $0x4000, s12  }
0x2a: {  	s31 =	sshrl.u32 s13, $0x2;
	s13 =	sadd.s32 $0x0, s14  }
0x2b: {  	s15 =	simm.s32 $0x4;
	s16 =	sadd.s32 $0x40, s16;
	s12 =	sor.u32 $0x4000, s31;
	[tilespmem:s13+$0x1830 ss:$0x81] =	vst.msk $0xffff, v3  }
.LBB1_3:
0x2c: {  	v3 =	vld [tilespmem:s16+$0x10];
	p1 =	sne.s32 s15, $0x1FC;
	[tilespmem:s13+$0x810 ss:$0x81] =	vst.msk $0xffff, v2;
	s17 =	smov.u32 s15;
	s15 =	sadd.s32 $0x4, s15  }
.Ltmp3:
0x2d: {  	v2 =	vld [tilespmem:s16+$0xFFFFFFF0];
	[tilespmem:s13+$0x1020 ss:$0x81] =	vst.msk $0xffff, v0;
	(pc) =	sbr.rel @p1 .LBB1_3-.Ltmp3, $4  }
0x2e: {  	v0 =	vld [tilespmem:s16+$0x0];
	[tilespmem:s13+$0x0 ss:$0x81] =	vst.msk $0xffff, v1  }
0x2f: {  	s13 =	sshra.s32 s17, $0x2;
	v1 =	vld [tilespmem:s16+$0xFFFFFFE0]  }
0x30: {  	s13 =	sadd.s32 s13, s14  }
0x31: {  	s16 =	sadd.s32 $0x40, s16;
	[tilespmem:s13+$0x1830 ss:$0x81] =	vst.msk $0xffff, v3  }
.Ltmp4:
0x32: {  	_ = 	snop;
	(pc) =	sbr.rel .LBB1_4-.Ltmp4, $1  }
0x33: {  	_ =	sdelay $0x3  }
.LBB1_6:
0x34: {  	_ =	sfence.sel $0x180000  }
0x35: {  	s2 =	simm.s32 $0x1;
	[bflag:$0x0] =	sbarrier.arrive $0xFFFF  }
0x36: {  	s31 =	simm.s32 $0x2;
	[sflag:s2] =	ssyncpa.u1 $0x1  }
0x37: {  	[sflag:s31] =	ssyncpa.u1 $0x1  }
0x38: {  	p0 =	sne.s32 s0, $0x0;
	_ =	strace $0x9000004A  }
0x39: {  	s0 =	sadd.s32 @!p0 $0x100000, s1;
	[bflag:$0x2] =	sbarrier.arrive $0xFFFF  }
0x3a: {  	[sflag:s0] =	ssyncadd.tile.s32 @!p0 $0x1;
	_ =	shalt  }
.Lfunc_end1:
_tile_overlayer_lowered:
.L_overlay_start_2:
0x3b: {  	(tag) =	ssettag $0x2  }
0x3c: {  	s0 =	rddreg [dreg:$0x0];
	s2 =	stileid.u32  }
0x3d: {  	s1 =	rddreg [dreg:$0x1];
	p0 =	sne.s32 s2, $0x0  }
0x3e: {  	s3 =	rddreg [dreg:$0x2];
	[bflag:$0x3] =	sbarrier.arrive $0xFFFF;
	s2 =	simm.s32 @!p0 $0x1C01  }
0x3f: {  	[timem:s3], [sflag:s2] =	dma.local @!p0 [hbm:s0], s1  }
0x40: {  	s0 =	simm.s32 @!p0 $0x1  }
0x41: {  	_ =	swait.ge @!p0 [sflag:s0], s1  }
0x42: {  	s1 =	ssub.s32 @!p0 $0x0, s1;
	[sflag:s0] =	ssyncset.done @!p0 $0x0  }
0x43: {  	[sflag:s0] =	ssyncadd.s32 @!p0 s1  }
0x44: {  	[bflag:$0x3] =	sbarrier.arrive $0xFFFF  }
0x45: {  	_ =	shalt  }

</sc_bundles>
